<compile_context>
chip_gen: v7x
topology: tpu7x:2x2x1
jax: 0.10.2.dev20260603
libtpu: 0.0.44.dev20260713+nightly
codegen_flags: <defaults>
</compile_context>

<pallas_src>
import jax
import jax.numpy as jnp
from jax import lax
from jax.experimental import pallas as pl
from jax.experimental.pallas import tpu as pltpu
from jax.experimental.pallas import tpu_sc as plsc

N_NODES = 100000
NUM_GRAPHS = 512
NC = 2
NS = 16
NW = NC * NS

CHUNK = 3136
LAST = N_NODES - (NW - 1) * CHUNK


def _rsqrt(sq):
  ii = plsc.bitcast(sq, jnp.int32)
  ii = 0x5F3759DF - (ii >> 1)
  r = plsc.bitcast(ii, jnp.float32)
  hs = 0.5 * sq
  r = r * (1.5 - hs * r * r)
  r = r * (1.5 - hs * r * r)
  return r


SEG = CHUNK // 2
SEG_L = LAST // 2


def _sc_body(dip_t_hbm, batch_hbm, zero_hbm, part_hbm,
             s_v, x_v, y_v, z_v, out_a, out_b, idx_a, idx_b,
             out_la, out_lb, idx_la, idx_lb, acc_sh,
             sem_d, sem_i, sem_sc):
  c = lax.axis_index("c")
  s = lax.axis_index("s")
  wid = c * NS + s
  is_last = wid == NW - 1
  not_last = jnp.logical_not(is_last)
  base = wid * CHUNK

  def in_copies(n, idx_refs, seg):
    cps = [
        pltpu.make_async_copy(
            dip_t_hbm.at[pl.ds(k * N_NODES + base, n)],
            vm.at[pl.ds(0, n)], sem_d)
        for k, vm in enumerate((s_v, x_v, y_v, z_v))
    ]
    icps = [
        pltpu.make_async_copy(
            batch_hbm.at[pl.ds(base + st * seg, seg)], iref, sem_i)
        for st, iref in enumerate(idx_refs)
    ]
    return cps, icps

  @pl.when(not_last)
  def _():
    cps, icps = in_copies(CHUNK, (idx_a, idx_b), SEG)
    for cp in cps + icps:
      cp.start()

  @pl.when(is_last)
  def _():
    cps, icps = in_copies(LAST, (idx_la, idx_lb), SEG_L)
    for cp in cps + icps:
      cp.start()

  @pl.when(s == 0)
  def _():
    pltpu.sync_copy(zero_hbm, acc_sh)
  plsc.subcore_barrier()

  iota = lax.iota(jnp.int32, 16)
  col0 = jnp.full((16,), 0, jnp.int32)
  col1 = jnp.full((16,), 1, jnp.int32)
  col2 = jnp.full((16,), 2, jnp.int32)

  def make_group(stage_off, out_ref):
    def group(g, carry):
      lanes = stage_off + g * 16 + iota
      sv = plsc.load_gather(s_v, [lanes])
      xv = plsc.load_gather(x_v, [lanes])
      yv = plsc.load_gather(y_v, [lanes])
      zv = plsc.load_gather(z_v, [lanes])
      sq = xv * xv + yv * yv + zv * zv
      f = sv * _rsqrt(sq)
      rows = g * 16 + iota
      plsc.store_scatter(out_ref, [rows, col0], f * xv)
      plsc.store_scatter(out_ref, [rows, col1], f * yv)
      plsc.store_scatter(out_ref, [rows, col2], f * zv)
      return carry
    return group

  def tile_work(n, out_refs, idx_refs, seg):
    cps, icps = in_copies(n, idx_refs, seg)
    for cp in cps:
      cp.wait()
    scs = []
    for st, (oref, iref) in enumerate(zip(out_refs, idx_refs)):
      icps[st].wait()
      lax.fori_loop(0, seg // 16, make_group(st * seg, oref), 0)
      scs.append(pltpu.async_copy(oref, acc_sh.at[iref], sem_sc, add=True))
    for sc_cp in scs:
      sc_cp.wait()

  @pl.when(not_last)
  def _():
    tile_work(CHUNK, (out_a, out_b), (idx_a, idx_b), SEG)

  @pl.when(is_last)
  def _():
    tile_work(LAST, (out_la, out_lb), (idx_la, idx_lb), SEG_L)

  plsc.subcore_barrier()

  @pl.when(s == 0)
  def _():
    pltpu.sync_copy(acc_sh, part_hbm.at[c])


def _sc_partials(dip_t, batch_i32, zeros):
  mesh = plsc.VectorSubcoreMesh(
      core_axis_name="c", subcore_axis_name="s", num_cores=NC,
      num_subcores=NS)
  f = pl.kernel(
      _sc_body,
      out_type=jax.ShapeDtypeStruct((NC, NUM_GRAPHS, 3), jnp.float32),
      mesh=mesh,
      compiler_params=pltpu.CompilerParams(
          needs_layout_passes=False, use_tc_tiling_on_sc=False),
      scratch_types=[
          pltpu.VMEM((CHUNK,), jnp.float32),
          pltpu.VMEM((CHUNK,), jnp.float32),
          pltpu.VMEM((CHUNK,), jnp.float32),
          pltpu.VMEM((CHUNK,), jnp.float32),
          pltpu.VMEM((SEG, 3), jnp.float32),
          pltpu.VMEM((SEG, 3), jnp.float32),
          pltpu.VMEM((SEG,), jnp.int32),
          pltpu.VMEM((SEG,), jnp.int32),
          pltpu.VMEM((SEG_L, 3), jnp.float32),
          pltpu.VMEM((SEG_L, 3), jnp.float32),
          pltpu.VMEM((SEG_L,), jnp.int32),
          pltpu.VMEM((SEG_L,), jnp.int32),
          pltpu.VMEM_SHARED((NUM_GRAPHS, 3), jnp.float32),
          pltpu.SemaphoreType.DMA,
          pltpu.SemaphoreType.DMA,
          pltpu.SemaphoreType.DMA,
      ],
  )
  return f(dip_t, batch_i32, zeros)


def _finish_body(part_ref, o_ref):
  p = part_ref[0] + part_ref[1]
  o_ref[...] = jnp.sqrt(jnp.sum(p * p, axis=-1, keepdims=True))


def kernel(dipole, batch):
  dip_t = dipole.T.reshape(-1)
  batch_i32 = batch.astype(jnp.int32)
  zeros = jnp.zeros((NUM_GRAPHS, 3), jnp.float32)
  part = _sc_partials(dip_t, batch_i32, zeros)
  return pl.pallas_call(
      _finish_body,
      out_shape=jax.ShapeDtypeStruct((NUM_GRAPHS, 1), jnp.float32),
  )(part)

# --- scband reference (transcript-rebuilt; emitter-appended) ---
"""Pipeline reference for scband-dipole-moment-module-58944131170314 (READ-ONLY COPY).

The authoritative reference and input builder live on the scoring server;
editing this copy changes nothing except your own understanding.
"""

import jax, jax.numpy as jnp
import numpy as np

NUM_GRAPHS = 512
N_NODES = 100000

def setup_inputs(seed: int = 0) -> dict:
    key = jax.random.key(seed)
    k1, k2 = jax.random.split(key)
    dipole = jax.random.normal(k1, (N_NODES, 4), dtype=jnp.float32)
    batch = jnp.sort(jax.random.randint(k2, (N_NODES,), 0, NUM_GRAPHS)).astype(jnp.int64)
    return {"dipole": dipole, "batch": batch}

def reference(dipole, batch):
    # field irreps '1x0e+1x1o': column 0 is scalar magnitude, columns 1:4 are vector
    direction = dipole[:, 1:]
    row_norms = jnp.linalg.norm(direction, axis=1, keepdims=True)
    versor = direction / row_norms
    scaling = dipole[:, 0:1]
    out = scaling * versor
    # scatter-add per-node dipoles into per-graph totals (segment reduce)
    total = jax.ops.segment_sum(out, batch, num_segments=NUM_GRAPHS)
    # norm of each graph's total dipole moment -> [NUM_GRAPHS, 1]
    return jnp.linalg.norm(total, axis=-1, keepdims=True)

if __name__ == "__main__":
    import jax
    _d = setup_inputs()
    print(jax.jit(kernel)(*tuple(_d.values())))

</pallas_src>

<mosaic_0001>
#map = affine_map<(d0, d1) -> (0)>
#map1 = affine_map<(d0, d1) -> (0, 0)>
#map2 = affine_map<(d0, d1) -> (0, 0, 0)>
module attributes {stable_mosaic.version = 14 : i64} {
  func.func @_sc_body(%arg0: i32, %arg1: i32, %arg2: memref<400000xf32, #tpu.memory_space<hbm>>, %arg3: memref<100000xi32, #tpu.memory_space<hbm>>, %arg4: memref<512x3xf32, #tpu.memory_space<hbm>>, %arg5: memref<2x512x3xf32, #tpu.memory_space<hbm>>, %arg6: memref<3136xf32, #tpu.memory_space<vmem>>, %arg7: memref<3136xf32, #tpu.memory_space<vmem>>, %arg8: memref<3136xf32, #tpu.memory_space<vmem>>, %arg9: memref<3136xf32, #tpu.memory_space<vmem>>, %arg10: memref<1568x3xf32, #tpu.memory_space<vmem>>, %arg11: memref<1568x3xf32, #tpu.memory_space<vmem>>, %arg12: memref<1568xi32, #tpu.memory_space<vmem>>, %arg13: memref<1568xi32, #tpu.memory_space<vmem>>, %arg14: memref<1392x3xf32, #tpu.memory_space<vmem>>, %arg15: memref<1392x3xf32, #tpu.memory_space<vmem>>, %arg16: memref<1392xi32, #tpu.memory_space<vmem>>, %arg17: memref<1392xi32, #tpu.memory_space<vmem>>, %arg18: memref<512x3xf32, #tpu.memory_space<vmem_shared>>, %arg19: memref<!tpu.dma_semaphore, #tpu.memory_space<semaphore_mem>>, %arg20: memref<!tpu.dma_semaphore, #tpu.memory_space<semaphore_mem>>, %arg21: memref<!tpu.dma_semaphore, #tpu.memory_space<semaphore_mem>>) attributes {dimension_semantics = [#tpu.dimension_semantics<core_parallel>, #tpu.dimension_semantics<subcore_parallel>], iteration_bounds = array<i64: 2, 16>, scalar_prefetch = 0 : i64, scratch_operands = 16 : i64, tpu.core_type = #tpu.core_type<sc_vector_subcore>, window_params = [{transform_indices = #map}, {transform_indices = #map}, {transform_indices = #map1}, {transform_indices = #map2}]} {
    %mul3A = arith.constant 16 : i32
    %mul3A_0 = arith.muli %arg0, %mul3A : i32
    %add3A = arith.addi %mul3A_0, %arg1 : i32
    %eq3A = arith.constant 31 : i32
    %eq3A_1 = arith.cmpi eq, %add3A, %eq3A : i32
    %not3A = arith.constant true
    %not3A_2 = arith.xori %eq3A_1, %not3A : i1
    %mul3A_3 = arith.constant 3136 : i32
    %mul3A_4 = arith.muli %add3A, %mul3A_3 : i32
    %convert_element_type3A = arith.extui %not3A_2 : i1 to i32
    %cond3A = arith.constant 0 : i32
    %cond3A_5 = arith.cmpi ne, %convert_element_type3A, %cond3A : i32
    scf.if %cond3A_5 {
      %add3A_31 = arith.constant 0 : i32
      %add3A_32 = arith.addi %add3A_31, %mul3A_4 : i32
      %add3A_33 = arith.constant 100000 : i32
      %add3A_34 = arith.addi %add3A_33, %mul3A_4 : i32
      %add3A_35 = arith.constant 200000 : i32
      %add3A_36 = arith.addi %add3A_35, %mul3A_4 : i32
      %add3A_37 = arith.constant 300000 : i32
      %add3A_38 = arith.addi %add3A_37, %mul3A_4 : i32
      %add3A_39 = arith.constant 0 : i32
      %add3A_40 = arith.addi %mul3A_4, %add3A_39 : i32
      %add3A_41 = arith.constant 1568 : i32
      %add3A_42 = arith.addi %mul3A_4, %add3A_41 : i32
      %dma_start3A = arith.constant 0 : i32
      %dma_start3A_43 = tpu.memref_slice %arg6[%dma_start3A] : memref<3136xf32, #tpu.memory_space<vmem>> -> memref<3136xf32, #tpu.memory_space<vmem>>
      %dma_start3A_44 = tpu.memref_slice %arg2[%add3A_32] : memref<400000xf32, #tpu.memory_space<hbm>> -> memref<3136xf32, #tpu.memory_space<hbm>>
      %dma_start3A_45 = arith.constant 0 : i32
      %dma_start3A_46 = tpu.memref_slice %arg6[%dma_start3A_45] : memref<3136xf32, #tpu.memory_space<vmem>> -> memref<3136xf32, #tpu.memory_space<vmem>>
      %dma_start3A_47 = tpu.memref_slice %arg2[%add3A_32] : memref<400000xf32, #tpu.memory_space<hbm>> -> memref<3136xf32, #tpu.memory_space<hbm>>
      tpu.enqueue_dma source(%dma_start3A_47 : memref<3136xf32, #tpu.memory_space<hbm>>) target(%dma_start3A_46 : memref<3136xf32, #tpu.memory_space<vmem>>) target_semaphore(%arg19 : memref<!tpu.dma_semaphore, #tpu.memory_space<semaphore_mem>>)
      %dma_start3A_48 = arith.constant 0 : i32
      %dma_start3A_49 = tpu.memref_slice %arg7[%dma_start3A_48] : memref<3136xf32, #tpu.memory_space<vmem>> -> memref<3136xf32, #tpu.memory_space<vmem>>
      %dma_start3A_50 = tpu.memref_slice %arg2[%add3A_34] : memref<400000xf32, #tpu.memory_space<hbm>> -> memref<3136xf32, #tpu.memory_space<hbm>>
      %dma_start3A_51 = arith.constant 0 : i32
      %dma_start3A_52 = tpu.memref_slice %arg7[%dma_start3A_51] : memref<3136xf32, #tpu.memory_space<vmem>> -> memref<3136xf32, #tpu.memory_space<vmem>>
      %dma_start3A_53 = tpu.memref_slice %arg2[%add3A_34] : memref<400000xf32, #tpu.memory_space<hbm>> -> memref<3136xf32, #tpu.memory_space<hbm>>
      tpu.enqueue_dma source(%dma_start3A_53 : memref<3136xf32, #tpu.memory_space<hbm>>) target(%dma_start3A_52 : memref<3136xf32, #tpu.memory_space<vmem>>) target_semaphore(%arg19 : memref<!tpu.dma_semaphore, #tpu.memory_space<semaphore_mem>>)
      %dma_start3A_54 = arith.constant 0 : i32
      %dma_start3A_55 = tpu.memref_slice %arg8[%dma_start3A_54] : memref<3136xf32, #tpu.memory_space<vmem>> -> memref<3136xf32, #tpu.memory_space<vmem>>
      %dma_start3A_56 = tpu.memref_slice %arg2[%add3A_36] : memref<400000xf32, #tpu.memory_space<hbm>> -> memref<3136xf32, #tpu.memory_space<hbm>>
      %dma_start3A_57 = arith.constant 0 : i32
      %dma_start3A_58 = tpu.memref_slice %arg8[%dma_start3A_57] : memref<3136xf32, #tpu.memory_space<vmem>> -> memref<3136xf32, #tpu.memory_space<vmem>>
      %dma_start3A_59 = tpu.memref_slice %arg2[%add3A_36] : memref<400000xf32, #tpu.memory_space<hbm>> -> memref<3136xf32, #tpu.memory_space<hbm>>
      tpu.enqueue_dma source(%dma_start3A_59 : memref<3136xf32, #tpu.memory_space<hbm>>) target(%dma_start3A_58 : memref<3136xf32, #tpu.memory_space<vmem>>) target_semaphore(%arg19 : memref<!tpu.dma_semaphore, #tpu.memory_space<semaphore_mem>>)
      %dma_start3A_60 = arith.constant 0 : i32
      %dma_start3A_61 = tpu.memref_slice %arg9[%dma_start3A_60] : memref<3136xf32, #tpu.memory_space<vmem>> -> memref<3136xf32, #tpu.memory_space<vmem>>
      %dma_start3A_62 = tpu.memref_slice %arg2[%add3A_38] : memref<400000xf32, #tpu.memory_space<hbm>> -> memref<3136xf32, #tpu.memory_space<hbm>>
      %dma_start3A_63 = arith.constant 0 : i32
      %dma_start3A_64 = tpu.memref_slice %arg9[%dma_start3A_63] : memref<3136xf32, #tpu.memory_space<vmem>> -> memref<3136xf32, #tpu.memory_space<vmem>>
      %dma_start3A_65 = tpu.memref_slice %arg2[%add3A_38] : memref<400000xf32, #tpu.memory_space<hbm>> -> memref<3136xf32, #tpu.memory_space<hbm>>
      tpu.enqueue_dma source(%dma_start3A_65 : memref<3136xf32, #tpu.memory_space<hbm>>) target(%dma_start3A_64 : memref<3136xf32, #tpu.memory_space<vmem>>) target_semaphore(%arg19 : memref<!tpu.dma_semaphore, #tpu.memory_space<semaphore_mem>>)
      %dma_start3A_66 = tpu.memref_slice %arg3[%add3A_40] : memref<100000xi32, #tpu.memory_space<hbm>> -> memref<1568xi32, #tpu.memory_space<hbm>>
      %dma_start3A_67 = tpu.memref_slice %arg3[%add3A_40] : memref<100000xi32, #tpu.memory_space<hbm>> -> memref<1568xi32, #tpu.memory_space<hbm>>
      tpu.enqueue_dma source(%dma_start3A_67 : memref<1568xi32, #tpu.memory_space<hbm>>) target(%arg12 : memref<1568xi32, #tpu.memory_space<vmem>>) target_semaphore(%arg20 : memref<!tpu.dma_semaphore, #tpu.memory_space<semaphore_mem>>)
      %dma_start3A_68 = tpu.memref_slice %arg3[%add3A_42] : memref<100000xi32, #tpu.memory_space<hbm>> -> memref<1568xi32, #tpu.memory_space<hbm>>
      %dma_start3A_69 = tpu.memref_slice %arg3[%add3A_42] : memref<100000xi32, #tpu.memory_space<hbm>> -> memref<1568xi32, #tpu.memory_space<hbm>>
      tpu.enqueue_dma source(%dma_start3A_69 : memref<1568xi32, #tpu.memory_space<hbm>>) target(%arg13 : memref<1568xi32, #tpu.memory_space<vmem>>) target_semaphore(%arg20 : memref<!tpu.dma_semaphore, #tpu.memory_space<semaphore_mem>>)
    } else {
    }
    %convert_element_type3A_6 = arith.extui %eq3A_1 : i1 to i32
    %cond3A_7 = arith.constant 0 : i32
    %cond3A_8 = arith.cmpi ne, %convert_element_type3A_6, %cond3A_7 : i32
    scf.if %cond3A_8 {
      %add3A_31 = arith.constant 0 : i32
      %add3A_32 = arith.addi %add3A_31, %mul3A_4 : i32
      %add3A_33 = arith.constant 100000 : i32
      %add3A_34 = arith.addi %add3A_33, %mul3A_4 : i32
      %add3A_35 = arith.constant 200000 : i32
      %add3A_36 = arith.addi %add3A_35, %mul3A_4 : i32
      %add3A_37 = arith.constant 300000 : i32
      %add3A_38 = arith.addi %add3A_37, %mul3A_4 : i32
      %add3A_39 = arith.constant 0 : i32
      %add3A_40 = arith.addi %mul3A_4, %add3A_39 : i32
      %add3A_41 = arith.constant 1392 : i32
      %add3A_42 = arith.addi %mul3A_4, %add3A_41 : i32
      %dma_start3A = arith.constant 0 : i32
      %dma_start3A_43 = tpu.memref_slice %arg6[%dma_start3A] : memref<3136xf32, #tpu.memory_space<vmem>> -> memref<2784xf32, #tpu.memory_space<vmem>>
      %dma_start3A_44 = tpu.memref_slice %arg2[%add3A_32] : memref<400000xf32, #tpu.memory_space<hbm>> -> memref<2784xf32, #tpu.memory_space<hbm>>
      %dma_start3A_45 = arith.constant 0 : i32
      %dma_start3A_46 = tpu.memref_slice %arg6[%dma_start3A_45] : memref<3136xf32, #tpu.memory_space<vmem>> -> memref<2784xf32, #tpu.memory_space<vmem>>
      %dma_start3A_47 = tpu.memref_slice %arg2[%add3A_32] : memref<400000xf32, #tpu.memory_space<hbm>> -> memref<2784xf32, #tpu.memory_space<hbm>>
      tpu.enqueue_dma source(%dma_start3A_47 : memref<2784xf32, #tpu.memory_space<hbm>>) target(%dma_start3A_46 : memref<2784xf32, #tpu.memory_space<vmem>>) target_semaphore(%arg19 : memref<!tpu.dma_semaphore, #tpu.memory_space<semaphore_mem>>)
      %dma_start3A_48 = arith.constant 0 : i32
      %dma_start3A_49 = tpu.memref_slice %arg7[%dma_start3A_48] : memref<3136xf32, #tpu.memory_space<vmem>> -> memref<2784xf32, #tpu.memory_space<vmem>>
      %dma_start3A_50 = tpu.memref_slice %arg2[%add3A_34] : memref<400000xf32, #tpu.memory_space<hbm>> -> memref<2784xf32, #tpu.memory_space<hbm>>
      %dma_start3A_51 = arith.constant 0 : i32
      %dma_start3A_52 = tpu.memref_slice %arg7[%dma_start3A_51] : memref<3136xf32, #tpu.memory_space<vmem>> -> memref<2784xf32, #tpu.memory_space<vmem>>
      %dma_start3A_53 = tpu.memref_slice %arg2[%add3A_34] : memref<400000xf32, #tpu.memory_space<hbm>> -> memref<2784xf32, #tpu.memory_space<hbm>>
      tpu.enqueue_dma source(%dma_start3A_53 : memref<2784xf32, #tpu.memory_space<hbm>>) target(%dma_start3A_52 : memref<2784xf32, #tpu.memory_space<vmem>>) target_semaphore(%arg19 : memref<!tpu.dma_semaphore, #tpu.memory_space<semaphore_mem>>)
      %dma_start3A_54 = arith.constant 0 : i32
      %dma_start3A_55 = tpu.memref_slice %arg8[%dma_start3A_54] : memref<3136xf32, #tpu.memory_space<vmem>> -> memref<2784xf32, #tpu.memory_space<vmem>>
      %dma_start3A_56 = tpu.memref_slice %arg2[%add3A_36] : memref<400000xf32, #tpu.memory_space<hbm>> -> memref<2784xf32, #tpu.memory_space<hbm>>
      %dma_start3A_57 = arith.constant 0 : i32
      %dma_start3A_58 = tpu.memref_slice %arg8[%dma_start3A_57] : memref<3136xf32, #tpu.memory_space<vmem>> -> memref<2784xf32, #tpu.memory_space<vmem>>
      %dma_start3A_59 = tpu.memref_slice %arg2[%add3A_36] : memref<400000xf32, #tpu.memory_space<hbm>> -> memref<2784xf32, #tpu.memory_space<hbm>>
      tpu.enqueue_dma source(%dma_start3A_59 : memref<2784xf32, #tpu.memory_space<hbm>>) target(%dma_start3A_58 : memref<2784xf32, #tpu.memory_space<vmem>>) target_semaphore(%arg19 : memref<!tpu.dma_semaphore, #tpu.memory_space<semaphore_mem>>)
      %dma_start3A_60 = arith.constant 0 : i32
      %dma_start3A_61 = tpu.memref_slice %arg9[%dma_start3A_60] : memref<3136xf32, #tpu.memory_space<vmem>> -> memref<2784xf32, #tpu.memory_space<vmem>>
      %dma_start3A_62 = tpu.memref_slice %arg2[%add3A_38] : memref<400000xf32, #tpu.memory_space<hbm>> -> memref<2784xf32, #tpu.memory_space<hbm>>
      %dma_start3A_63 = arith.constant 0 : i32
      %dma_start3A_64 = tpu.memref_slice %arg9[%dma_start3A_63] : memref<3136xf32, #tpu.memory_space<vmem>> -> memref<2784xf32, #tpu.memory_space<vmem>>
      %dma_start3A_65 = tpu.memref_slice %arg2[%add3A_38] : memref<400000xf32, #tpu.memory_space<hbm>> -> memref<2784xf32, #tpu.memory_space<hbm>>
      tpu.enqueue_dma source(%dma_start3A_65 : memref<2784xf32, #tpu.memory_space<hbm>>) target(%dma_start3A_64 : memref<2784xf32, #tpu.memory_space<vmem>>) target_semaphore(%arg19 : memref<!tpu.dma_semaphore, #tpu.memory_space<semaphore_mem>>)
      %dma_start3A_66 = tpu.memref_slice %arg3[%add3A_40] : memref<100000xi32, #tpu.memory_space<hbm>> -> memref<1392xi32, #tpu.memory_space<hbm>>
      %dma_start3A_67 = tpu.memref_slice %arg3[%add3A_40] : memref<100000xi32, #tpu.memory_space<hbm>> -> memref<1392xi32, #tpu.memory_space<hbm>>
      tpu.enqueue_dma source(%dma_start3A_67 : memref<1392xi32, #tpu.memory_space<hbm>>) target(%arg16 : memref<1392xi32, #tpu.memory_space<vmem>>) target_semaphore(%arg20 : memref<!tpu.dma_semaphore, #tpu.memory_space<semaphore_mem>>)
      %dma_start3A_68 = tpu.memref_slice %arg3[%add3A_42] : memref<100000xi32, #tpu.memory_space<hbm>> -> memref<1392xi32, #tpu.memory_space<hbm>>
      %dma_start3A_69 = tpu.memref_slice %arg3[%add3A_42] : memref<100000xi32, #tpu.memory_space<hbm>> -> memref<1392xi32, #tpu.memory_space<hbm>>
      tpu.enqueue_dma source(%dma_start3A_69 : memref<1392xi32, #tpu.memory_space<hbm>>) target(%arg17 : memref<1392xi32, #tpu.memory_space<vmem>>) target_semaphore(%arg20 : memref<!tpu.dma_semaphore, #tpu.memory_space<semaphore_mem>>)
    } else {
    }
    %eq3A_9 = arith.constant 0 : i32
    %eq3A_10 = arith.cmpi eq, %arg1, %eq3A_9 : i32
    %convert_element_type3A_11 = arith.extui %eq3A_10 : i1 to i32
    %cond3A_12 = arith.constant 0 : i32
    %cond3A_13 = arith.cmpi ne, %convert_element_type3A_11, %cond3A_12 : i32
    scf.if %cond3A_13 {
      "tpu.region"() ({
        %run_scoped3A = tpu.sem_alloc : memref<!tpu.dma_semaphore, #tpu.memory_space<semaphore_mem>>
        tpu.enqueue_dma source(%arg4 : memref<512x3xf32, #tpu.memory_space<hbm>>) target(%arg18 : memref<512x3xf32, #tpu.memory_space<vmem_shared>>) target_semaphore(%run_scoped3A : memref<!tpu.dma_semaphore, #tpu.memory_space<semaphore_mem>>)
        tpu.wait_dma2 semaphore(%run_scoped3A : memref<!tpu.dma_semaphore, #tpu.memory_space<semaphore_mem>>) src(%arg4 : memref<512x3xf32, #tpu.memory_space<hbm>>) dst(%arg18 : memref<512x3xf32, #tpu.memory_space<vmem_shared>>)
        tpu.yield
      }) : () -> ()
    } else {
    }
    %barrier3A = arith.constant 0 : index
    tpu.barrier barrier_id(%barrier3A)
    %iota3A = tpu.iota {dimensions = array<i32: 0>} : vector<16xi32>
    %broadcast_in_dim3A = arith.constant 0 : i32
    %broadcast_in_dim3A_14 = vector.broadcast %broadcast_in_dim3A : i32 to vector<16xi32>
    %broadcast_in_dim3A_15 = arith.constant 1 : i32
    %broadcast_in_dim3A_16 = vector.broadcast %broadcast_in_dim3A_15 : i32 to vector<16xi32>
    %broadcast_in_dim3A_17 = arith.constant 2 : i32
    %broadcast_in_dim3A_18 = vector.broadcast %broadcast_in_dim3A_17 : i32 to vector<16xi32>
    %convert_element_type3A_19 = arith.extui %not3A_2 : i1 to i32
    %cond3A_20 = arith.constant 0 : i32
    %cond3A_21 = arith.cmpi ne, %convert_element_type3A_19, %cond3A_20 : i32
    scf.if %cond3A_21 {
      %add3A_31 = arith.constant 0 : i32
      %add3A_32 = arith.addi %add3A_31, %mul3A_4 : i32
      %add3A_33 = arith.constant 100000 : i32
      %add3A_34 = arith.addi %add3A_33, %mul3A_4 : i32
      %add3A_35 = arith.constant 200000 : i32
      %add3A_36 = arith.addi %add3A_35, %mul3A_4 : i32
      %add3A_37 = arith.constant 300000 : i32
      %add3A_38 = arith.addi %add3A_37, %mul3A_4 : i32
      %add3A_39 = arith.constant 0 : i32
      %add3A_40 = arith.addi %mul3A_4, %add3A_39 : i32
      %add3A_41 = arith.constant 1568 : i32
      %add3A_42 = arith.addi %mul3A_4, %add3A_41 : i32
      %dma_wait3A = arith.constant 0 : i32
      %dma_wait3A_43 = tpu.memref_slice %arg6[%dma_wait3A] : memref<3136xf32, #tpu.memory_space<vmem>> -> memref<3136xf32, #tpu.memory_space<vmem>>
      %dma_wait3A_44 = tpu.memref_slice %arg2[%add3A_32] : memref<400000xf32, #tpu.memory_space<hbm>> -> memref<3136xf32, #tpu.memory_space<hbm>>
      %dma_wait3A_45 = arith.constant 0 : i32
      %dma_wait3A_46 = tpu.memref_slice %arg6[%dma_wait3A_45] : memref<3136xf32, #tpu.memory_space<vmem>> -> memref<3136xf32, #tpu.memory_space<vmem>>
      %dma_wait3A_47 = tpu.memref_slice %arg2[%add3A_32] : memref<400000xf32, #tpu.memory_space<hbm>> -> memref<3136xf32, #tpu.memory_space<hbm>>
      tpu.wait_dma2 semaphore(%arg19 : memref<!tpu.dma_semaphore, #tpu.memory_space<semaphore_mem>>) src(%dma_wait3A_47 : memref<3136xf32, #tpu.memory_space<hbm>>) dst(%dma_wait3A_46 : memref<3136xf32, #tpu.memory_space<vmem>>)
      %dma_wait3A_48 = arith.constant 0 : i32
      %dma_wait3A_49 = tpu.memref_slice %arg7[%dma_wait3A_48] : memref<3136xf32, #tpu.memory_space<vmem>> -> memref<3136xf32, #tpu.memory_space<vmem>>
      %dma_wait3A_50 = tpu.memref_slice %arg2[%add3A_34] : memref<400000xf32, #tpu.memory_space<hbm>> -> memref<3136xf32, #tpu.memory_space<hbm>>
      %dma_wait3A_51 = arith.constant 0 : i32
      %dma_wait3A_52 = tpu.memref_slice %arg7[%dma_wait3A_51] : memref<3136xf32, #tpu.memory_space<vmem>> -> memref<3136xf32, #tpu.memory_space<vmem>>
      %dma_wait3A_53 = tpu.memref_slice %arg2[%add3A_34] : memref<400000xf32, #tpu.memory_space<hbm>> -> memref<3136xf32, #tpu.memory_space<hbm>>
      tpu.wait_dma2 semaphore(%arg19 : memref<!tpu.dma_semaphore, #tpu.memory_space<semaphore_mem>>) src(%dma_wait3A_53 : memref<3136xf32, #tpu.memory_space<hbm>>) dst(%dma_wait3A_52 : memref<3136xf32, #tpu.memory_space<vmem>>)
      %dma_wait3A_54 = arith.constant 0 : i32
      %dma_wait3A_55 = tpu.memref_slice %arg8[%dma_wait3A_54] : memref<3136xf32, #tpu.memory_space<vmem>> -> memref<3136xf32, #tpu.memory_space<vmem>>
      %dma_wait3A_56 = tpu.memref_slice %arg2[%add3A_36] : memref<400000xf32, #tpu.memory_space<hbm>> -> memref<3136xf32, #tpu.memory_space<hbm>>
      %dma_wait3A_57 = arith.constant 0 : i32
      %dma_wait3A_58 = tpu.memref_slice %arg8[%dma_wait3A_57] : memref<3136xf32, #tpu.memory_space<vmem>> -> memref<3136xf32, #tpu.memory_space<vmem>>
      %dma_wait3A_59 = tpu.memref_slice %arg2[%add3A_36] : memref<400000xf32, #tpu.memory_space<hbm>> -> memref<3136xf32, #tpu.memory_space<hbm>>
      tpu.wait_dma2 semaphore(%arg19 : memref<!tpu.dma_semaphore, #tpu.memory_space<semaphore_mem>>) src(%dma_wait3A_59 : memref<3136xf32, #tpu.memory_space<hbm>>) dst(%dma_wait3A_58 : memref<3136xf32, #tpu.memory_space<vmem>>)
      %dma_wait3A_60 = arith.constant 0 : i32
      %dma_wait3A_61 = tpu.memref_slice %arg9[%dma_wait3A_60] : memref<3136xf32, #tpu.memory_space<vmem>> -> memref<3136xf32, #tpu.memory_space<vmem>>
      %dma_wait3A_62 = tpu.memref_slice %arg2[%add3A_38] : memref<400000xf32, #tpu.memory_space<hbm>> -> memref<3136xf32, #tpu.memory_space<hbm>>
      %dma_wait3A_63 = arith.constant 0 : i32
      %dma_wait3A_64 = tpu.memref_slice %arg9[%dma_wait3A_63] : memref<3136xf32, #tpu.memory_space<vmem>> -> memref<3136xf32, #tpu.memory_space<vmem>>
      %dma_wait3A_65 = tpu.memref_slice %arg2[%add3A_38] : memref<400000xf32, #tpu.memory_space<hbm>> -> memref<3136xf32, #tpu.memory_space<hbm>>
      tpu.wait_dma2 semaphore(%arg19 : memref<!tpu.dma_semaphore, #tpu.memory_space<semaphore_mem>>) src(%dma_wait3A_65 : memref<3136xf32, #tpu.memory_space<hbm>>) dst(%dma_wait3A_64 : memref<3136xf32, #tpu.memory_space<vmem>>)
      %dma_wait3A_66 = tpu.memref_slice %arg3[%add3A_40] : memref<100000xi32, #tpu.memory_space<hbm>> -> memref<1568xi32, #tpu.memory_space<hbm>>
      %dma_wait3A_67 = tpu.memref_slice %arg3[%add3A_40] : memref<100000xi32, #tpu.memory_space<hbm>> -> memref<1568xi32, #tpu.memory_space<hbm>>
      tpu.wait_dma2 semaphore(%arg20 : memref<!tpu.dma_semaphore, #tpu.memory_space<semaphore_mem>>) src(%dma_wait3A_67 : memref<1568xi32, #tpu.memory_space<hbm>>) dst(%arg12 : memref<1568xi32, #tpu.memory_space<vmem>>)
      %scan3A = arith.constant 0 : i32
      %scan3A_68 = arith.constant 0 : i32
      %scan3A_69 = arith.constant 98 : i32
      %scan3A_70 = arith.addi %scan3A_68, %scan3A_69 : i32
      %scan3A_71 = arith.constant 1 : i32
      scf.for %scan3A_92 = %scan3A_68 to %scan3A_70 step %scan3A_71  : i32 {
        %mul3A_93 = arith.constant 16 : i32
        %mul3A_94 = arith.muli %scan3A_92, %mul3A_93 : i32
        %add3A_95 = arith.constant 0 : i32
        %add3A_96 = arith.addi %add3A_95, %mul3A_94 : i32
        %add3A_97 = vector.broadcast %add3A_96 : i32 to vector<16xi32>
        %add3A_98 = arith.addi %add3A_97, %iota3A : vector<16xi32>
        %gather3A = tpu.vector_load_idx %arg6[%add3A_98] : memref<3136xf32, #tpu.memory_space<vmem>>[vector<16xi32>], vector<16xf32>,
        %gather3A_99 = tpu.vector_load_idx %arg7[%add3A_98] : memref<3136xf32, #tpu.memory_space<vmem>>[vector<16xi32>], vector<16xf32>,
        %gather3A_100 = tpu.vector_load_idx %arg8[%add3A_98] : memref<3136xf32, #tpu.memory_space<vmem>>[vector<16xi32>], vector<16xf32>,
        %gather3A_101 = tpu.vector_load_idx %arg9[%add3A_98] : memref<3136xf32, #tpu.memory_space<vmem>>[vector<16xi32>], vector<16xf32>,
        %mul3A_102 = arith.mulf %gather3A_99, %gather3A_99 : vector<16xf32>
        %mul3A_103 = arith.mulf %gather3A_100, %gather3A_100 : vector<16xf32>
        %add3A_104 = arith.addf %mul3A_102, %mul3A_103 : vector<16xf32>
        %mul3A_105 = arith.mulf %gather3A_101, %gather3A_101 : vector<16xf32>
        %add3A_106 = arith.addf %add3A_104, %mul3A_105 : vector<16xf32>
        %bitcast3A = vector.bitcast %add3A_106 : vector<16xf32> to vector<16xi32>
        %shift_right_arithmetic3A = arith.constant 1 : i32
        %shift_right_arithmetic3A_107 = vector.broadcast %shift_right_arithmetic3A : i32 to vector<16xi32>
        %shift_right_arithmetic3A_108 = arith.shrsi %bitcast3A, %shift_right_arithmetic3A_107 : vector<16xi32>
        %sub3A = arith.constant 1597463007 : i32
        %sub3A_109 = vector.broadcast %sub3A : i32 to vector<16xi32>
        %sub3A_110 = arith.subi %sub3A_109, %shift_right_arithmetic3A_108 : vector<16xi32>
        %bitcast3A_111 = vector.bitcast %sub3A_110 : vector<16xi32> to vector<16xf32>
        %mul3A_112 = arith.constant 5.000000e-01 : f32
        %mul3A_113 = vector.broadcast %mul3A_112 : f32 to vector<16xf32>
        %mul3A_114 = arith.mulf %mul3A_113, %add3A_106 : vector<16xf32>
        %mul3A_115 = arith.mulf %mul3A_114, %bitcast3A_111 : vector<16xf32>
        %mul3A_116 = arith.mulf %mul3A_115, %bitcast3A_111 : vector<16xf32>
        %sub3A_117 = arith.constant 1.500000e+00 : f32
        %sub3A_118 = vector.broadcast %sub3A_117 : f32 to vector<16xf32>
        %sub3A_119 = arith.subf %sub3A_118, %mul3A_116 : vector<16xf32>
        %mul3A_120 = arith.mulf %bitcast3A_111, %sub3A_119 : vector<16xf32>
        %mul3A_121 = arith.mulf %mul3A_114, %mul3A_120 : vector<16xf32>
        %mul3A_122 = arith.mulf %mul3A_121, %mul3A_120 : vector<16xf32>
        %sub3A_123 = arith.constant 1.500000e+00 : f32
        %sub3A_124 = vector.broadcast %sub3A_123 : f32 to vector<16xf32>
        %sub3A_125 = arith.subf %sub3A_124, %mul3A_122 : vector<16xf32>
        %mul3A_126 = arith.mulf %mul3A_120, %sub3A_125 : vector<16xf32>
        %mul3A_127 = arith.mulf %gather3A, %mul3A_126 : vector<16xf32>
        %mul3A_128 = arith.constant 16 : i32
        %mul3A_129 = arith.muli %scan3A_92, %mul3A_128 : i32
        %add3A_130 = vector.broadcast %mul3A_129 : i32 to vector<16xi32>
        %add3A_131 = arith.addi %add3A_130, %iota3A : vector<16xi32>
        %mul3A_132 = arith.mulf %mul3A_127, %gather3A_99 : vector<16xf32>
        tpu.vector_store_idx %arg10[%add3A_131, %broadcast_in_dim3A_14], %mul3A_132 : memref<1568x3xf32, #tpu.memory_space<vmem>>[vector<16xi32>, vector<16xi32>], vector<16xf32>,
        %mul3A_133 = arith.mulf %mul3A_127, %gather3A_100 : vector<16xf32>
        tpu.vector_store_idx %arg10[%add3A_131, %broadcast_in_dim3A_16], %mul3A_133 : memref<1568x3xf32, #tpu.memory_space<vmem>>[vector<16xi32>, vector<16xi32>], vector<16xf32>,
        %mul3A_134 = arith.mulf %mul3A_127, %gather3A_101 : vector<16xf32>
        tpu.vector_store_idx %arg10[%add3A_131, %broadcast_in_dim3A_18], %mul3A_134 : memref<1568x3xf32, #tpu.memory_space<vmem>>[vector<16xi32>, vector<16xi32>], vector<16xf32>,
      }
      %scan3A_72 = arith.constant 98 : i32
      %dma_start3A = arith.constant 0 : i32
      %dma_start3A_73 = arith.constant 0 : i32
      %dma_start3A_74 = tpu.memref_slice %arg18[%dma_start3A, %dma_start3A_73] : memref<512x3xf32, #tpu.memory_space<vmem_shared>> -> memref<512x3xf32, #tpu.memory_space<vmem_shared>>
      tpu.enqueue_indirect_dma source(%arg10 : memref<1568x3xf32, #tpu.memory_space<vmem>>) target(%dma_start3A_74 : memref<512x3xf32, #tpu.memory_space<vmem_shared>>) offsets(%arg12 : memref<1568xi32, #tpu.memory_space<vmem>>) semaphore(%arg21 : memref<!tpu.dma_semaphore, #tpu.memory_space<semaphore_mem>>) {add = true}
      %dma_wait3A_75 = tpu.memref_slice %arg3[%add3A_42] : memref<100000xi32, #tpu.memory_space<hbm>> -> memref<1568xi32, #tpu.memory_space<hbm>>
      %dma_wait3A_76 = tpu.memref_slice %arg3[%add3A_42] : memref<100000xi32, #tpu.memory_space<hbm>> -> memref<1568xi32, #tpu.memory_space<hbm>>
      tpu.wait_dma2 semaphore(%arg20 : memref<!tpu.dma_semaphore, #tpu.memory_space<semaphore_mem>>) src(%dma_wait3A_76 : memref<1568xi32, #tpu.memory_space<hbm>>) dst(%arg13 : memref<1568xi32, #tpu.memory_space<vmem>>)
      %scan3A_77 = arith.constant 0 : i32
      %scan3A_78 = arith.constant 0 : i32
      %scan3A_79 = arith.constant 98 : i32
      %scan3A_80 = arith.addi %scan3A_78, %scan3A_79 : i32
      %scan3A_81 = arith.constant 1 : i32
      scf.for %scan3A_92 = %scan3A_78 to %scan3A_80 step %scan3A_81  : i32 {
        %mul3A_93 = arith.constant 16 : i32
        %mul3A_94 = arith.muli %scan3A_92, %mul3A_93 : i32
        %add3A_95 = arith.constant 1568 : i32
        %add3A_96 = arith.addi %add3A_95, %mul3A_94 : i32
        %add3A_97 = vector.broadcast %add3A_96 : i32 to vector<16xi32>
        %add3A_98 = arith.addi %add3A_97, %iota3A : vector<16xi32>
        %gather3A = tpu.vector_load_idx %arg6[%add3A_98] : memref<3136xf32, #tpu.memory_space<vmem>>[vector<16xi32>], vector<16xf32>,
        %gather3A_99 = tpu.vector_load_idx %arg7[%add3A_98] : memref<3136xf32, #tpu.memory_space<vmem>>[vector<16xi32>], vector<16xf32>,
        %gather3A_100 = tpu.vector_load_idx %arg8[%add3A_98] : memref<3136xf32, #tpu.memory_space<vmem>>[vector<16xi32>], vector<16xf32>,
        %gather3A_101 = tpu.vector_load_idx %arg9[%add3A_98] : memref<3136xf32, #tpu.memory_space<vmem>>[vector<16xi32>], vector<16xf32>,
        %mul3A_102 = arith.mulf %gather3A_99, %gather3A_99 : vector<16xf32>
        %mul3A_103 = arith.mulf %gather3A_100, %gather3A_100 : vector<16xf32>
        %add3A_104 = arith.addf %mul3A_102, %mul3A_103 : vector<16xf32>
        %mul3A_105 = arith.mulf %gather3A_101, %gather3A_101 : vector<16xf32>
        %add3A_106 = arith.addf %add3A_104, %mul3A_105 : vector<16xf32>
        %bitcast3A = vector.bitcast %add3A_106 : vector<16xf32> to vector<16xi32>
        %shift_right_arithmetic3A = arith.constant 1 : i32
        %shift_right_arithmetic3A_107 = vector.broadcast %shift_right_arithmetic3A : i32 to vector<16xi32>
        %shift_right_arithmetic3A_108 = arith.shrsi %bitcast3A, %shift_right_arithmetic3A_107 : vector<16xi32>
        %sub3A = arith.constant 1597463007 : i32
        %sub3A_109 = vector.broadcast %sub3A : i32 to vector<16xi32>
        %sub3A_110 = arith.subi %sub3A_109, %shift_right_arithmetic3A_108 : vector<16xi32>
        %bitcast3A_111 = vector.bitcast %sub3A_110 : vector<16xi32> to vector<16xf32>
        %mul3A_112 = arith.constant 5.000000e-01 : f32
        %mul3A_113 = vector.broadcast %mul3A_112 : f32 to vector<16xf32>
        %mul3A_114 = arith.mulf %mul3A_113, %add3A_106 : vector<16xf32>
        %mul3A_115 = arith.mulf %mul3A_114, %bitcast3A_111 : vector<16xf32>
        %mul3A_116 = arith.mulf %mul3A_115, %bitcast3A_111 : vector<16xf32>
        %sub3A_117 = arith.constant 1.500000e+00 : f32
        %sub3A_118 = vector.broadcast %sub3A_117 : f32 to vector<16xf32>
        %sub3A_119 = arith.subf %sub3A_118, %mul3A_116 : vector<16xf32>
        %mul3A_120 = arith.mulf %bitcast3A_111, %sub3A_119 : vector<16xf32>
        %mul3A_121 = arith.mulf %mul3A_114, %mul3A_120 : vector<16xf32>
        %mul3A_122 = arith.mulf %mul3A_121, %mul3A_120 : vector<16xf32>
        %sub3A_123 = arith.constant 1.500000e+00 : f32
        %sub3A_124 = vector.broadcast %sub3A_123 : f32 to vector<16xf32>
        %sub3A_125 = arith.subf %sub3A_124, %mul3A_122 : vector<16xf32>
        %mul3A_126 = arith.mulf %mul3A_120, %sub3A_125 : vector<16xf32>
        %mul3A_127 = arith.mulf %gather3A, %mul3A_126 : vector<16xf32>
        %mul3A_128 = arith.constant 16 : i32
        %mul3A_129 = arith.muli %scan3A_92, %mul3A_128 : i32
        %add3A_130 = vector.broadcast %mul3A_129 : i32 to vector<16xi32>
        %add3A_131 = arith.addi %add3A_130, %iota3A : vector<16xi32>
        %mul3A_132 = arith.mulf %mul3A_127, %gather3A_99 : vector<16xf32>
        tpu.vector_store_idx %arg11[%add3A_131, %broadcast_in_dim3A_14], %mul3A_132 : memref<1568x3xf32, #tpu.memory_space<vmem>>[vector<16xi32>, vector<16xi32>], vector<16xf32>,
        %mul3A_133 = arith.mulf %mul3A_127, %gather3A_100 : vector<16xf32>
        tpu.vector_store_idx %arg11[%add3A_131, %broadcast_in_dim3A_16], %mul3A_133 : memref<1568x3xf32, #tpu.memory_space<vmem>>[vector<16xi32>, vector<16xi32>], vector<16xf32>,
        %mul3A_134 = arith.mulf %mul3A_127, %gather3A_101 : vector<16xf32>
        tpu.vector_store_idx %arg11[%add3A_131, %broadcast_in_dim3A_18], %mul3A_134 : memref<1568x3xf32, #tpu.memory_space<vmem>>[vector<16xi32>, vector<16xi32>], vector<16xf32>,
      }
      %scan3A_82 = arith.constant 98 : i32
      %dma_start3A_83 = arith.constant 0 : i32
      %dma_start3A_84 = arith.constant 0 : i32
      %dma_start3A_85 = tpu.memref_slice %arg18[%dma_start3A_83, %dma_start3A_84] : memref<512x3xf32, #tpu.memory_space<vmem_shared>> -> memref<512x3xf32, #tpu.memory_space<vmem_shared>>
      tpu.enqueue_indirect_dma source(%arg11 : memref<1568x3xf32, #tpu.memory_space<vmem>>) target(%dma_start3A_85 : memref<512x3xf32, #tpu.memory_space<vmem_shared>>) offsets(%arg13 : memref<1568xi32, #tpu.memory_space<vmem>>) semaphore(%arg21 : memref<!tpu.dma_semaphore, #tpu.memory_space<semaphore_mem>>) {add = true}
      %dma_wait3A_86 = arith.constant 0 : i32
      %dma_wait3A_87 = arith.constant 0 : i32
      %dma_wait3A_88 = tpu.memref_slice %arg18[%dma_wait3A_86, %dma_wait3A_87] : memref<512x3xf32, #tpu.memory_space<vmem_shared>> -> memref<512x3xf32, #tpu.memory_space<vmem_shared>>
      tpu.wait_indirect_dma semaphore(%arg21 : memref<!tpu.dma_semaphore, #tpu.memory_space<semaphore_mem>>) src(%arg10 : memref<1568x3xf32, #tpu.memory_space<vmem>>) dst(%dma_wait3A_88 : memref<512x3xf32, #tpu.memory_space<vmem_shared>>)
      %dma_wait3A_89 = arith.constant 0 : i32
      %dma_wait3A_90 = arith.constant 0 : i32
      %dma_wait3A_91 = tpu.memref_slice %arg18[%dma_wait3A_89, %dma_wait3A_90] : memref<512x3xf32, #tpu.memory_space<vmem_shared>> -> memref<512x3xf32, #tpu.memory_space<vmem_shared>>
      tpu.wait_indirect_dma semaphore(%arg21 : memref<!tpu.dma_semaphore, #tpu.memory_space<semaphore_mem>>) src(%arg11 : memref<1568x3xf32, #tpu.memory_space<vmem>>) dst(%dma_wait3A_91 : memref<512x3xf32, #tpu.memory_space<vmem_shared>>)
    } else {
    }
    %convert_element_type3A_22 = arith.extui %eq3A_1 : i1 to i32
    %cond3A_23 = arith.constant 0 : i32
    %cond3A_24 = arith.cmpi ne, %convert_element_type3A_22, %cond3A_23 : i32
    scf.if %cond3A_24 {
      %add3A_31 = arith.constant 0 : i32
      %add3A_32 = arith.addi %add3A_31, %mul3A_4 : i32
      %add3A_33 = arith.constant 100000 : i32
      %add3A_34 = arith.addi %add3A_33, %mul3A_4 : i32
      %add3A_35 = arith.constant 200000 : i32
      %add3A_36 = arith.addi %add3A_35, %mul3A_4 : i32
      %add3A_37 = arith.constant 300000 : i32
      %add3A_38 = arith.addi %add3A_37, %mul3A_4 : i32
      %add3A_39 = arith.constant 0 : i32
      %add3A_40 = arith.addi %mul3A_4, %add3A_39 : i32
      %add3A_41 = arith.constant 1392 : i32
      %add3A_42 = arith.addi %mul3A_4, %add3A_41 : i32
      %dma_wait3A = arith.constant 0 : i32
      %dma_wait3A_43 = tpu.memref_slice %arg6[%dma_wait3A] : memref<3136xf32, #tpu.memory_space<vmem>> -> memref<2784xf32, #tpu.memory_space<vmem>>
      %dma_wait3A_44 = tpu.memref_slice %arg2[%add3A_32] : memref<400000xf32, #tpu.memory_space<hbm>> -> memref<2784xf32, #tpu.memory_space<hbm>>
      %dma_wait3A_45 = arith.constant 0 : i32
      %dma_wait3A_46 = tpu.memref_slice %arg6[%dma_wait3A_45] : memref<3136xf32, #tpu.memory_space<vmem>> -> memref<2784xf32, #tpu.memory_space<vmem>>
      %dma_wait3A_47 = tpu.memref_slice %arg2[%add3A_32] : memref<400000xf32, #tpu.memory_space<hbm>> -> memref<2784xf32, #tpu.memory_space<hbm>>
      tpu.wait_dma2 semaphore(%arg19 : memref<!tpu.dma_semaphore, #tpu.memory_space<semaphore_mem>>) src(%dma_wait3A_47 : memref<2784xf32, #tpu.memory_space<hbm>>) dst(%dma_wait3A_46 : memref<2784xf32, #tpu.memory_space<vmem>>)
      %dma_wait3A_48 = arith.constant 0 : i32
      %dma_wait3A_49 = tpu.memref_slice %arg7[%dma_wait3A_48] : memref<3136xf32, #tpu.memory_space<vmem>> -> memref<2784xf32, #tpu.memory_space<vmem>>
      %dma_wait3A_50 = tpu.memref_slice %arg2[%add3A_34] : memref<400000xf32, #tpu.memory_space<hbm>> -> memref<2784xf32, #tpu.memory_space<hbm>>
      %dma_wait3A_51 = arith.constant 0 : i32
      %dma_wait3A_52 = tpu.memref_slice %arg7[%dma_wait3A_51] : memref<3136xf32, #tpu.memory_space<vmem>> -> memref<2784xf32, #tpu.memory_space<vmem>>
      %dma_wait3A_53 = tpu.memref_slice %arg2[%add3A_34] : memref<400000xf32, #tpu.memory_space<hbm>> -> memref<2784xf32, #tpu.memory_space<hbm>>
      tpu.wait_dma2 semaphore(%arg19 : memref<!tpu.dma_semaphore, #tpu.memory_space<semaphore_mem>>) src(%dma_wait3A_53 : memref<2784xf32, #tpu.memory_space<hbm>>) dst(%dma_wait3A_52 : memref<2784xf32, #tpu.memory_space<vmem>>)
      %dma_wait3A_54 = arith.constant 0 : i32
      %dma_wait3A_55 = tpu.memref_slice %arg8[%dma_wait3A_54] : memref<3136xf32, #tpu.memory_space<vmem>> -> memref<2784xf32, #tpu.memory_space<vmem>>
      %dma_wait3A_56 = tpu.memref_slice %arg2[%add3A_36] : memref<400000xf32, #tpu.memory_space<hbm>> -> memref<2784xf32, #tpu.memory_space<hbm>>
      %dma_wait3A_57 = arith.constant 0 : i32
      %dma_wait3A_58 = tpu.memref_slice %arg8[%dma_wait3A_57] : memref<3136xf32, #tpu.memory_space<vmem>> -> memref<2784xf32, #tpu.memory_space<vmem>>
      %dma_wait3A_59 = tpu.memref_slice %arg2[%add3A_36] : memref<400000xf32, #tpu.memory_space<hbm>> -> memref<2784xf32, #tpu.memory_space<hbm>>
      tpu.wait_dma2 semaphore(%arg19 : memref<!tpu.dma_semaphore, #tpu.memory_space<semaphore_mem>>) src(%dma_wait3A_59 : memref<2784xf32, #tpu.memory_space<hbm>>) dst(%dma_wait3A_58 : memref<2784xf32, #tpu.memory_space<vmem>>)
      %dma_wait3A_60 = arith.constant 0 : i32
      %dma_wait3A_61 = tpu.memref_slice %arg9[%dma_wait3A_60] : memref<3136xf32, #tpu.memory_space<vmem>> -> memref<2784xf32, #tpu.memory_space<vmem>>
      %dma_wait3A_62 = tpu.memref_slice %arg2[%add3A_38] : memref<400000xf32, #tpu.memory_space<hbm>> -> memref<2784xf32, #tpu.memory_space<hbm>>
      %dma_wait3A_63 = arith.constant 0 : i32
      %dma_wait3A_64 = tpu.memref_slice %arg9[%dma_wait3A_63] : memref<3136xf32, #tpu.memory_space<vmem>> -> memref<2784xf32, #tpu.memory_space<vmem>>
      %dma_wait3A_65 = tpu.memref_slice %arg2[%add3A_38] : memref<400000xf32, #tpu.memory_space<hbm>> -> memref<2784xf32, #tpu.memory_space<hbm>>
      tpu.wait_dma2 semaphore(%arg19 : memref<!tpu.dma_semaphore, #tpu.memory_space<semaphore_mem>>) src(%dma_wait3A_65 : memref<2784xf32, #tpu.memory_space<hbm>>) dst(%dma_wait3A_64 : memref<2784xf32, #tpu.memory_space<vmem>>)
      %dma_wait3A_66 = tpu.memref_slice %arg3[%add3A_40] : memref<100000xi32, #tpu.memory_space<hbm>> -> memref<1392xi32, #tpu.memory_space<hbm>>
      %dma_wait3A_67 = tpu.memref_slice %arg3[%add3A_40] : memref<100000xi32, #tpu.memory_space<hbm>> -> memref<1392xi32, #tpu.memory_space<hbm>>
      tpu.wait_dma2 semaphore(%arg20 : memref<!tpu.dma_semaphore, #tpu.memory_space<semaphore_mem>>) src(%dma_wait3A_67 : memref<1392xi32, #tpu.memory_space<hbm>>) dst(%arg16 : memref<1392xi32, #tpu.memory_space<vmem>>)
      %scan3A = arith.constant 0 : i32
      %scan3A_68 = arith.constant 0 : i32
      %scan3A_69 = arith.constant 87 : i32
      %scan3A_70 = arith.addi %scan3A_68, %scan3A_69 : i32
      %scan3A_71 = arith.constant 1 : i32
      scf.for %scan3A_92 = %scan3A_68 to %scan3A_70 step %scan3A_71  : i32 {
        %mul3A_93 = arith.constant 16 : i32
        %mul3A_94 = arith.muli %scan3A_92, %mul3A_93 : i32
        %add3A_95 = arith.constant 0 : i32
        %add3A_96 = arith.addi %add3A_95, %mul3A_94 : i32
        %add3A_97 = vector.broadcast %add3A_96 : i32 to vector<16xi32>
        %add3A_98 = arith.addi %add3A_97, %iota3A : vector<16xi32>
        %gather3A = tpu.vector_load_idx %arg6[%add3A_98] : memref<3136xf32, #tpu.memory_space<vmem>>[vector<16xi32>], vector<16xf32>,
        %gather3A_99 = tpu.vector_load_idx %arg7[%add3A_98] : memref<3136xf32, #tpu.memory_space<vmem>>[vector<16xi32>], vector<16xf32>,
        %gather3A_100 = tpu.vector_load_idx %arg8[%add3A_98] : memref<3136xf32, #tpu.memory_space<vmem>>[vector<16xi32>], vector<16xf32>,
        %gather3A_101 = tpu.vector_load_idx %arg9[%add3A_98] : memref<3136xf32, #tpu.memory_space<vmem>>[vector<16xi32>], vector<16xf32>,
        %mul3A_102 = arith.mulf %gather3A_99, %gather3A_99 : vector<16xf32>
        %mul3A_103 = arith.mulf %gather3A_100, %gather3A_100 : vector<16xf32>
        %add3A_104 = arith.addf %mul3A_102, %mul3A_103 : vector<16xf32>
        %mul3A_105 = arith.mulf %gather3A_101, %gather3A_101 : vector<16xf32>
        %add3A_106 = arith.addf %add3A_104, %mul3A_105 : vector<16xf32>
        %bitcast3A = vector.bitcast %add3A_106 : vector<16xf32> to vector<16xi32>
        %shift_right_arithmetic3A = arith.constant 1 : i32
        %shift_right_arithmetic3A_107 = vector.broadcast %shift_right_arithmetic3A : i32 to vector<16xi32>
        %shift_right_arithmetic3A_108 = arith.shrsi %bitcast3A, %shift_right_arithmetic3A_107 : vector<16xi32>
        %sub3A = arith.constant 1597463007 : i32
        %sub3A_109 = vector.broadcast %sub3A : i32 to vector<16xi32>
        %sub3A_110 = arith.subi %sub3A_109, %shift_right_arithmetic3A_108 : vector<16xi32>
        %bitcast3A_111 = vector.bitcast %sub3A_110 : vector<16xi32> to vector<16xf32>
        %mul3A_112 = arith.constant 5.000000e-01 : f32
        %mul3A_113 = vector.broadcast %mul3A_112 : f32 to vector<16xf32>
        %mul3A_114 = arith.mulf %mul3A_113, %add3A_106 : vector<16xf32>
        %mul3A_115 = arith.mulf %mul3A_114, %bitcast3A_111 : vector<16xf32>
        %mul3A_116 = arith.mulf %mul3A_115, %bitcast3A_111 : vector<16xf32>
        %sub3A_117 = arith.constant 1.500000e+00 : f32
        %sub3A_118 = vector.broadcast %sub3A_117 : f32 to vector<16xf32>
        %sub3A_119 = arith.subf %sub3A_118, %mul3A_116 : vector<16xf32>
        %mul3A_120 = arith.mulf %bitcast3A_111, %sub3A_119 : vector<16xf32>
        %mul3A_121 = arith.mulf %mul3A_114, %mul3A_120 : vector<16xf32>
        %mul3A_122 = arith.mulf %mul3A_121, %mul3A_120 : vector<16xf32>
        %sub3A_123 = arith.constant 1.500000e+00 : f32
        %sub3A_124 = vector.broadcast %sub3A_123 : f32 to vector<16xf32>
        %sub3A_125 = arith.subf %sub3A_124, %mul3A_122 : vector<16xf32>
        %mul3A_126 = arith.mulf %mul3A_120, %sub3A_125 : vector<16xf32>
        %mul3A_127 = arith.mulf %gather3A, %mul3A_126 : vector<16xf32>
        %mul3A_128 = arith.constant 16 : i32
        %mul3A_129 = arith.muli %scan3A_92, %mul3A_128 : i32
        %add3A_130 = vector.broadcast %mul3A_129 : i32 to vector<16xi32>
        %add3A_131 = arith.addi %add3A_130, %iota3A : vector<16xi32>
        %mul3A_132 = arith.mulf %mul3A_127, %gather3A_99 : vector<16xf32>
        tpu.vector_store_idx %arg14[%add3A_131, %broadcast_in_dim3A_14], %mul3A_132 : memref<1392x3xf32, #tpu.memory_space<vmem>>[vector<16xi32>, vector<16xi32>], vector<16xf32>,
        %mul3A_133 = arith.mulf %mul3A_127, %gather3A_100 : vector<16xf32>
        tpu.vector_store_idx %arg14[%add3A_131, %broadcast_in_dim3A_16], %mul3A_133 : memref<1392x3xf32, #tpu.memory_space<vmem>>[vector<16xi32>, vector<16xi32>], vector<16xf32>,
        %mul3A_134 = arith.mulf %mul3A_127, %gather3A_101 : vector<16xf32>
        tpu.vector_store_idx %arg14[%add3A_131, %broadcast_in_dim3A_18], %mul3A_134 : memref<1392x3xf32, #tpu.memory_space<vmem>>[vector<16xi32>, vector<16xi32>], vector<16xf32>,
      }
      %scan3A_72 = arith.constant 87 : i32
      %dma_start3A = arith.constant 0 : i32
      %dma_start3A_73 = arith.constant 0 : i32
      %dma_start3A_74 = tpu.memref_slice %arg18[%dma_start3A, %dma_start3A_73] : memref<512x3xf32, #tpu.memory_space<vmem_shared>> -> memref<512x3xf32, #tpu.memory_space<vmem_shared>>
      tpu.enqueue_indirect_dma source(%arg14 : memref<1392x3xf32, #tpu.memory_space<vmem>>) target(%dma_start3A_74 : memref<512x3xf32, #tpu.memory_space<vmem_shared>>) offsets(%arg16 : memref<1392xi32, #tpu.memory_space<vmem>>) semaphore(%arg21 : memref<!tpu.dma_semaphore, #tpu.memory_space<semaphore_mem>>) {add = true}
      %dma_wait3A_75 = tpu.memref_slice %arg3[%add3A_42] : memref<100000xi32, #tpu.memory_space<hbm>> -> memref<1392xi32, #tpu.memory_space<hbm>>
      %dma_wait3A_76 = tpu.memref_slice %arg3[%add3A_42] : memref<100000xi32, #tpu.memory_space<hbm>> -> memref<1392xi32, #tpu.memory_space<hbm>>
      tpu.wait_dma2 semaphore(%arg20 : memref<!tpu.dma_semaphore, #tpu.memory_space<semaphore_mem>>) src(%dma_wait3A_76 : memref<1392xi32, #tpu.memory_space<hbm>>) dst(%arg17 : memref<1392xi32, #tpu.memory_space<vmem>>)
      %scan3A_77 = arith.constant 0 : i32
      %scan3A_78 = arith.constant 0 : i32
      %scan3A_79 = arith.constant 87 : i32
      %scan3A_80 = arith.addi %scan3A_78, %scan3A_79 : i32
      %scan3A_81 = arith.constant 1 : i32
      scf.for %scan3A_92 = %scan3A_78 to %scan3A_80 step %scan3A_81  : i32 {
        %mul3A_93 = arith.constant 16 : i32
        %mul3A_94 = arith.muli %scan3A_92, %mul3A_93 : i32
        %add3A_95 = arith.constant 1392 : i32
        %add3A_96 = arith.addi %add3A_95, %mul3A_94 : i32
        %add3A_97 = vector.broadcast %add3A_96 : i32 to vector<16xi32>
        %add3A_98 = arith.addi %add3A_97, %iota3A : vector<16xi32>
        %gather3A = tpu.vector_load_idx %arg6[%add3A_98] : memref<3136xf32, #tpu.memory_space<vmem>>[vector<16xi32>], vector<16xf32>,
        %gather3A_99 = tpu.vector_load_idx %arg7[%add3A_98] : memref<3136xf32, #tpu.memory_space<vmem>>[vector<16xi32>], vector<16xf32>,
        %gather3A_100 = tpu.vector_load_idx %arg8[%add3A_98] : memref<3136xf32, #tpu.memory_space<vmem>>[vector<16xi32>], vector<16xf32>,
        %gather3A_101 = tpu.vector_load_idx %arg9[%add3A_98] : memref<3136xf32, #tpu.memory_space<vmem>>[vector<16xi32>], vector<16xf32>,
        %mul3A_102 = arith.mulf %gather3A_99, %gather3A_99 : vector<16xf32>
        %mul3A_103 = arith.mulf %gather3A_100, %gather3A_100 : vector<16xf32>
        %add3A_104 = arith.addf %mul3A_102, %mul3A_103 : vector<16xf32>
        %mul3A_105 = arith.mulf %gather3A_101, %gather3A_101 : vector<16xf32>
        %add3A_106 = arith.addf %add3A_104, %mul3A_105 : vector<16xf32>
        %bitcast3A = vector.bitcast %add3A_106 : vector<16xf32> to vector<16xi32>
        %shift_right_arithmetic3A = arith.constant 1 : i32
        %shift_right_arithmetic3A_107 = vector.broadcast %shift_right_arithmetic3A : i32 to vector<16xi32>
        %shift_right_arithmetic3A_108 = arith.shrsi %bitcast3A, %shift_right_arithmetic3A_107 : vector<16xi32>
        %sub3A = arith.constant 1597463007 : i32
        %sub3A_109 = vector.broadcast %sub3A : i32 to vector<16xi32>
        %sub3A_110 = arith.subi %sub3A_109, %shift_right_arithmetic3A_108 : vector<16xi32>
        %bitcast3A_111 = vector.bitcast %sub3A_110 : vector<16xi32> to vector<16xf32>
        %mul3A_112 = arith.constant 5.000000e-01 : f32
        %mul3A_113 = vector.broadcast %mul3A_112 : f32 to vector<16xf32>
        %mul3A_114 = arith.mulf %mul3A_113, %add3A_106 : vector<16xf32>
        %mul3A_115 = arith.mulf %mul3A_114, %bitcast3A_111 : vector<16xf32>
        %mul3A_116 = arith.mulf %mul3A_115, %bitcast3A_111 : vector<16xf32>
        %sub3A_117 = arith.constant 1.500000e+00 : f32
        %sub3A_118 = vector.broadcast %sub3A_117 : f32 to vector<16xf32>
        %sub3A_119 = arith.subf %sub3A_118, %mul3A_116 : vector<16xf32>
        %mul3A_120 = arith.mulf %bitcast3A_111, %sub3A_119 : vector<16xf32>
        %mul3A_121 = arith.mulf %mul3A_114, %mul3A_120 : vector<16xf32>
        %mul3A_122 = arith.mulf %mul3A_121, %mul3A_120 : vector<16xf32>
        %sub3A_123 = arith.constant 1.500000e+00 : f32
        %sub3A_124 = vector.broadcast %sub3A_123 : f32 to vector<16xf32>
        %sub3A_125 = arith.subf %sub3A_124, %mul3A_122 : vector<16xf32>
        %mul3A_126 = arith.mulf %mul3A_120, %sub3A_125 : vector<16xf32>
        %mul3A_127 = arith.mulf %gather3A, %mul3A_126 : vector<16xf32>
        %mul3A_128 = arith.constant 16 : i32
        %mul3A_129 = arith.muli %scan3A_92, %mul3A_128 : i32
        %add3A_130 = vector.broadcast %mul3A_129 : i32 to vector<16xi32>
        %add3A_131 = arith.addi %add3A_130, %iota3A : vector<16xi32>
        %mul3A_132 = arith.mulf %mul3A_127, %gather3A_99 : vector<16xf32>
        tpu.vector_store_idx %arg15[%add3A_131, %broadcast_in_dim3A_14], %mul3A_132 : memref<1392x3xf32, #tpu.memory_space<vmem>>[vector<16xi32>, vector<16xi32>], vector<16xf32>,
        %mul3A_133 = arith.mulf %mul3A_127, %gather3A_100 : vector<16xf32>
        tpu.vector_store_idx %arg15[%add3A_131, %broadcast_in_dim3A_16], %mul3A_133 : memref<1392x3xf32, #tpu.memory_space<vmem>>[vector<16xi32>, vector<16xi32>], vector<16xf32>,
        %mul3A_134 = arith.mulf %mul3A_127, %gather3A_101 : vector<16xf32>
        tpu.vector_store_idx %arg15[%add3A_131, %broadcast_in_dim3A_18], %mul3A_134 : memref<1392x3xf32, #tpu.memory_space<vmem>>[vector<16xi32>, vector<16xi32>], vector<16xf32>,
      }
      %scan3A_82 = arith.constant 87 : i32
      %dma_start3A_83 = arith.constant 0 : i32
      %dma_start3A_84 = arith.constant 0 : i32
      %dma_start3A_85 = tpu.memref_slice %arg18[%dma_start3A_83, %dma_start3A_84] : memref<512x3xf32, #tpu.memory_space<vmem_shared>> -> memref<512x3xf32, #tpu.memory_space<vmem_shared>>
      tpu.enqueue_indirect_dma source(%arg15 : memref<1392x3xf32, #tpu.memory_space<vmem>>) target(%dma_start3A_85 : memref<512x3xf32, #tpu.memory_space<vmem_shared>>) offsets(%arg17 : memref<1392xi32, #tpu.memory_space<vmem>>) semaphore(%arg21 : memref<!tpu.dma_semaphore, #tpu.memory_space<semaphore_mem>>) {add = true}
      %dma_wait3A_86 = arith.constant 0 : i32
      %dma_wait3A_87 = arith.constant 0 : i32
      %dma_wait3A_88 = tpu.memref_slice %arg18[%dma_wait3A_86, %dma_wait3A_87] : memref<512x3xf32, #tpu.memory_space<vmem_shared>> -> memref<512x3xf32, #tpu.memory_space<vmem_shared>>
      tpu.wait_indirect_dma semaphore(%arg21 : memref<!tpu.dma_semaphore, #tpu.memory_space<semaphore_mem>>) src(%arg14 : memref<1392x3xf32, #tpu.memory_space<vmem>>) dst(%dma_wait3A_88 : memref<512x3xf32, #tpu.memory_space<vmem_shared>>)
      %dma_wait3A_89 = arith.constant 0 : i32
      %dma_wait3A_90 = arith.constant 0 : i32
      %dma_wait3A_91 = tpu.memref_slice %arg18[%dma_wait3A_89, %dma_wait3A_90] : memref<512x3xf32, #tpu.memory_space<vmem_shared>> -> memref<512x3xf32, #tpu.memory_space<vmem_shared>>
      tpu.wait_indirect_dma semaphore(%arg21 : memref<!tpu.dma_semaphore, #tpu.memory_space<semaphore_mem>>) src(%arg15 : memref<1392x3xf32, #tpu.memory_space<vmem>>) dst(%dma_wait3A_91 : memref<512x3xf32, #tpu.memory_space<vmem_shared>>)
    } else {
    }
    %barrier3A_25 = arith.constant 0 : index
    tpu.barrier barrier_id(%barrier3A_25)
    %eq3A_26 = arith.constant 0 : i32
    %eq3A_27 = arith.cmpi eq, %arg1, %eq3A_26 : i32
    %convert_element_type3A_28 = arith.extui %eq3A_27 : i1 to i32
    %cond3A_29 = arith.constant 0 : i32
    %cond3A_30 = arith.cmpi ne, %convert_element_type3A_28, %cond3A_29 : i32
    scf.if %cond3A_30 {
      "tpu.region"() ({
        %run_scoped3A = tpu.sem_alloc : memref<!tpu.dma_semaphore, #tpu.memory_space<semaphore_mem>>
        %dma_start3A = arith.constant 0 : i32
        %dma_start3A_31 = arith.constant 0 : i32
        %dma_start3A_32 = tpu.memref_slice %arg5[%arg0, %dma_start3A, %dma_start3A_31] : memref<2x512x3xf32, #tpu.memory_space<hbm>> -> memref<1x512x3xf32, #tpu.memory_space<hbm>>
        %dma_start3A_33 = tpu.memref_squeeze %dma_start3A_32 : memref<1x512x3xf32, #tpu.memory_space<hbm>> -> memref<512x3xf32, #tpu.memory_space<hbm>>
        tpu.enqueue_dma source(%arg18 : memref<512x3xf32, #tpu.memory_space<vmem_shared>>) target(%dma_start3A_33 : memref<512x3xf32, #tpu.memory_space<hbm>>) target_semaphore(%run_scoped3A : memref<!tpu.dma_semaphore, #tpu.memory_space<semaphore_mem>>)
        %dma_wait3A = arith.constant 0 : i32
        %dma_wait3A_34 = arith.constant 0 : i32
        %dma_wait3A_35 = tpu.memref_slice %arg5[%arg0, %dma_wait3A, %dma_wait3A_34] : memref<2x512x3xf32, #tpu.memory_space<hbm>> -> memref<1x512x3xf32, #tpu.memory_space<hbm>>
        %dma_wait3A_36 = tpu.memref_squeeze %dma_wait3A_35 : memref<1x512x3xf32, #tpu.memory_space<hbm>> -> memref<512x3xf32, #tpu.memory_space<hbm>>
        tpu.wait_dma2 semaphore(%run_scoped3A : memref<!tpu.dma_semaphore, #tpu.memory_space<semaphore_mem>>) src(%arg18 : memref<512x3xf32, #tpu.memory_space<vmem_shared>>) dst(%dma_wait3A_36 : memref<512x3xf32, #tpu.memory_space<hbm>>)
        tpu.yield
      }) : () -> ()
    } else {
    }
    return
  }
}

module attributes {stable_mosaic.version = 14 : i64} {
  func.func @_finish_body(%arg0: memref<2x512x3xf32, #tpu.memory_space<vmem>>, %arg1: memref<512x1xf32, #tpu.memory_space<vmem>>) attributes {dimension_semantics = [], scalar_prefetch = 0 : i64, scratch_operands = 0 : i64, tpu.core_type = #tpu.core_type<tc>} {
    %get3A = arith.constant 0 : index
    %get3A_0 = arith.constant 0 : index
    %get3A_1 = arith.constant 0 : index
    %get3A_2 = vector.load %arg0[%get3A, %get3A_0, %get3A_1] : memref<2x512x3xf32, #tpu.memory_space<vmem>>, vector<1x512x3xf32>
    %get3A_3 = vector.shape_cast %get3A_2 : vector<1x512x3xf32> to vector<512x3xf32>
    %get3A_4 = arith.constant 1 : index
    %get3A_5 = arith.constant 0 : index
    %get3A_6 = arith.constant 0 : index
    %get3A_7 = vector.load %arg0[%get3A_4, %get3A_5, %get3A_6] : memref<2x512x3xf32, #tpu.memory_space<vmem>>, vector<1x512x3xf32>
    %get3A_8 = vector.shape_cast %get3A_7 : vector<1x512x3xf32> to vector<512x3xf32>
    %add3A = arith.addf %get3A_3, %get3A_8 : vector<512x3xf32>
    %mul3A = arith.mulf %add3A, %add3A : vector<512x3xf32>
    %reduce_sum3A = arith.constant dense<0.000000e+00> : vector<512xf32>
    %reduce_sum3A_9 = vector.multi_reduction <add>, %mul3A, %reduce_sum3A [1] : vector<512x3xf32> to vector<512xf32>
    %broadcast_in_dim3A = vector.shape_cast %reduce_sum3A_9 : vector<512xf32> to vector<512x1xf32>
    %sqrt3A = math.sqrt %broadcast_in_dim3A : vector<512x1xf32>
    %swap3A = arith.constant 0 : index
    %swap3A_10 = arith.constant 0 : index
    %swap3A_11 = vector.load %arg1[%swap3A, %swap3A_10] : memref<512x1xf32, #tpu.memory_space<vmem>>, vector<512x1xf32>
    tpu.vector_store %arg1[%swap3A, %swap3A_10], %sqrt3A {strides = array<i32>} : memref<512x1xf32, #tpu.memory_space<vmem>>, vector<512x1xf32>,
    return
  }
}

</mosaic_0001>

<sc_bundles>
// kernel: kernel.4.cloned.1.call-start
scs
__scs_entry_jumppad:
0x0: {  	(pc) =	sbr.rel $0x88, $3  }
0x1: {  	(tag) =	ssettag $0x0;
	lr =	simm.s32 $0x1  }
0x2: {  	[smem:$0x3F9F] =	sst lr;
	_ =	strace $0xD0000000  }
0x3: {  	_ = 	snop  }
0x4: {  	_ = 	snop  }
0x5: {  	_ = 	snop  }
0x6: {  	_ = 	snop  }
0x7: {  	_ = 	snop  }
__scs_overlays_trampoline_lowered:
0x8: {  	[smem:$0x3FAE] =	sst s0  }
0x9: {  	[smem:$0x3FAF] =	sst s1  }
0xa: {  	[smem:$0x3FB0] =	sst s2  }
0xb: {  	[smem:$0x3FB1] =	sst s3  }
0xc: {  	[smem:$0x3FB2] =	sst s4  }
0xd: {  	[smem:$0x3FB3] =	sst s5  }
0xe: {  	[smem:$0x3FB4] =	sst s6  }
0xf: {  	[smem:$0x3FB5] =	sst s7  }
0x10: {  	[smem:$0x3FB6] =	sst s8  }
0x11: {  	[smem:$0x3FB7] =	sst s9;
	s0 =	simm.s32 @!p0 $0x0  }
0x12: {  	s1 =	sld [smem:$0x3F9D];
	s0 =	simm.s32 @p0 $0x1  }
0x13: {  	[smem:$0x3FB8] =	sst s0;
	s0 =	simm.s32 @!p1 $0x0  }
0x14: {  	s2 =	sld [smem:$0x3F9C];
	s0 =	simm.s32 @p1 $0x1  }
0x15: {  	[smem:$0x3FB9] =	sst s0;
	s0 =	simm.s32 @!p2 $0x0  }
0x16: {  	s3 =	sld [smem:$0x3FDB];
	s0 =	simm.s32 @p2 $0x1  }
0x17: {  	s4 =	simm.s32 $0x1BF5;
	[smem:$0x3FBB] =	sst s0  }
0x18: {  	s0 =	sld [smem:$0x3F9E];
	_ =	swait.ge [sflag:s4], $0x0  }
0x19: {  	s7 =	sld [smem:$0x3F9F]  }
0x1a: {  	s8 =	sadd.s32 $0xFFFFE003, lr  }
0x1b: {  	s9 =	sadd.s32 $0xFFFFFEF7, lr;
	s5 =	simm.s32 $0xFFFFFFFF;
	p2 =	slt.u32 s8, $0xFFFFF086  }
0x1c: {  	p1 =	slt.u32 s9, $0xF7A;
	s5 =	simm.s32 @!p2 $0x0  }
0x1d: {  	s5 =	simm.s32 @p1 $0x1;
	p0 =	seq.s32 s7, s2  }
0x1e: {  	s7 =	smul.u32 @!p0 $0xF7A, s2;
	p2 =	seq.s32 @!p0 s5, $0x0  }
0x1f: {  	s9 =	smul.u32 $0xF7A, s1;
	s8 =	simm.s32 @!p0 $0x1BF5;
	p2 =	por !p2, p0  }
0x20: {  	[sflag:s8] =	ssyncset.s32 @!p0 $0xFFFFF086;
	s6 =	sadd.s32 @!p0 s3, s7;
	s7 =	simm.s32 @!p0 $0x108  }
0x21: {  	s3 =	sadd.s32 s3, s9;
	s6 =	sadd.s32 @!p0 $0x88, s6;
	s7 =	simm.s32 @p2 $0x1082  }
0x22: {  	[simem:s7], [sflag:s8] =	dma.local @!p0 [hbm:s6], $0xF7A  }
0x23: {  	s9 =	sor.u32 $0xD0000000, s2;
	s6 =	simm.s32 $0x108;
	_ =	swait.ge @!p0 [sflag:s8], $0x0  }
0x24: {  	s3 =	sadd.s32 $0x88, s3;
	s6 =	simm.s32 @!p1 $0x1082;
	[sflag:s4] =	ssyncset.s32 $0xFFFFF086  }
0x25: {  	[simem:s6], [sflag:s4] =	dma.local [hbm:s3], $0xF7A  }
0x26: {  	[smem:$0x3F9F] =	sst s1;
	(tag) =	ssettag s2;
	_ =	strace s9  }
0x27: {  	s1 =	sld [smem:$0x3FAF]  }
0x28: {  	s2 =	sld [smem:$0x3FB0]  }
0x29: {  	s4 =	sld [smem:$0x3FB2]  }
0x2a: {  	p0 =	seq.s32 s5, $0x0;
	s5 =	sld [smem:$0x3FB3]  }
0x2b: {  	s6 =	sld [smem:$0x3FB4]  }
0x2c: {  	s7 =	sld [smem:$0x3FB5]  }
0x2d: {  	s3 =	simm.s32 $0x108;
	s8 =	sld [smem:$0x3FB6]  }
0x2e: {  	s3 =	simm.s32 @!p0 $0x1082;
	s9 =	sld [smem:$0x3FB7]  }
0x2f: {  	lr =	sadd.s32 s0, s3;
	s0 =	sld [smem:$0x3FAE]  }
0x30: {  	s3 =	sld [smem:$0x3FB1]  }
0x31: {  	[smem:$0x3FBA] =	sst s10  }
0x32: {  	s10 =	sld [smem:$0x3FB8];
	_ =	sdelay $0x3  }
0x33: {  	p0 =	seq.s32 s10, $0x1;
	s10 =	sld [smem:$0x3FBA];
	_ =	sdelay $0x3  }
0x34: {  	[smem:$0x3FBA] =	sst s10  }
0x35: {  	s10 =	sld [smem:$0x3FB9];
	_ =	sdelay $0x3  }
0x36: {  	p1 =	seq.s32 s10, $0x1;
	s10 =	sld [smem:$0x3FBA];
	_ =	sdelay $0x3  }
0x37: {  	[smem:$0x3FBA] =	sst s10  }
0x38: {  	s10 =	sld [smem:$0x3FBB]  }
0x39: {  	_ = 	snop;
	(pc) =	sbr.ind lr, $3  }
0x3a: {  	_ = 	snop  }
0x3b: {  	_ = 	snop  }
0x3c: {  	p2 =	seq.s32 s10, $0x1;
	s10 =	sld [smem:$0x3FBA]  }
0x3d: {  	_ =	shalt  }
0x3e: {  	_ =	shalt  }
0x3f: {  	_ =	shalt  }
0x40: {  	_ =	shalt  }
0x41: {  	_ =	shalt  }
0x42: {  	_ =	shalt  }
0x43: {  	_ =	shalt  }
0x44: {  	_ =	shalt  }
0x45: {  	_ =	shalt  }
0x46: {  	_ =	shalt  }
0x47: {  	_ =	shalt  }
0x48: {  	_ =	shalt  }
0x49: {  	_ =	shalt  }
0x4a: {  	_ =	shalt  }
0x4b: {  	_ =	shalt  }
0x4c: {  	_ =	shalt  }
0x4d: {  	_ =	shalt  }
0x4e: {  	_ =	shalt  }
0x4f: {  	_ =	shalt  }
0x50: {  	_ =	shalt  }
0x51: {  	_ =	shalt  }
0x52: {  	_ =	shalt  }
0x53: {  	_ =	shalt  }
0x54: {  	_ =	shalt  }
0x55: {  	_ =	shalt  }
0x56: {  	_ =	shalt  }
0x57: {  	_ =	shalt  }
0x58: {  	_ =	shalt  }
0x59: {  	_ =	shalt  }
0x5a: {  	_ =	shalt  }
0x5b: {  	_ =	shalt  }
0x5c: {  	_ =	shalt  }
0x5d: {  	_ =	shalt  }
0x5e: {  	_ =	shalt  }
0x5f: {  	_ =	shalt  }
0x60: {  	_ =	shalt  }
0x61: {  	_ =	shalt  }
0x62: {  	_ =	shalt  }
0x63: {  	_ =	shalt  }
0x64: {  	_ =	shalt  }
0x65: {  	_ =	shalt  }
0x66: {  	_ =	shalt  }
0x67: {  	_ =	shalt  }
0x68: {  	_ =	shalt  }
0x69: {  	_ =	shalt  }
0x6a: {  	_ =	shalt  }
0x6b: {  	_ =	shalt  }
0x6c: {  	_ =	shalt  }
0x6d: {  	_ =	shalt  }
0x6e: {  	_ =	shalt  }
0x6f: {  	_ =	shalt  }
0x70: {  	_ =	shalt  }
0x71: {  	_ =	shalt  }
0x72: {  	_ =	shalt  }
0x73: {  	_ =	shalt  }
0x74: {  	_ =	shalt  }
0x75: {  	_ =	shalt  }
0x76: {  	_ =	shalt  }
0x77: {  	_ =	shalt  }
0x78: {  	_ =	shalt  }
0x79: {  	_ =	shalt  }
0x7a: {  	_ =	shalt  }
0x7b: {  	_ =	shalt  }
0x7c: {  	_ =	shalt  }
0x7d: {  	_ =	shalt  }
0x7e: {  	_ =	shalt  }
0x7f: {  	_ =	shalt  }
0x80: {  	_ =	shalt  }
0x81: {  	_ =	shalt  }
0x82: {  	_ =	shalt  }
0x83: {  	_ =	shalt  }
0x84: {  	_ =	shalt  }
0x85: {  	_ =	shalt  }
0x86: {  	_ =	shalt  }
0x87: {  	_ =	shalt  }
.Lfunc_end0:
.L_simem_size_0:
called_computation_lowered:
.L_overlay_start_0:
0x88: {  	s2 =	sld [smem:$0x3FD9]  }
0x89: {  	s3 =	sld [smem:$0x3FFE];
	_ =	sdelay $0x1  }
0x8a: {  	s1 =	srdreg.scid  }
0x8b: {  	s0 =	sand.u32 $0x1, s1  }
0x8c: {  	s17 =	sshll.u32 s0, $0xA;
	s2 =	sadd.s32 s3, s2  }
0x8d: {  	s2 =	sadd.s32 s2, s17  }
0x8e: {  	[smem:$0x3FC6] =	sst s2  }
0x8f: {  	_ = 	snop  }
0x90: {  	s2 =	sld [smem:$0x3FC8];
	(tm) =	ssettm $0x1  }
0x91: {  	s18 =	sld [smem:$0x3FFB];
	_ =	sdelay $0x3  }
0x92: {  	_ =	strace s18  }
0x93: {  	s3 =	sld [smem:$0x3FFC];
	_ =	sdelay $0x3  }
0x94: {  	_ =	strace s3  }
0x95: {  	s3 =	sld [smem:$0x3FFD];
	_ =	sdelay $0x3  }
0x96: {  	_ =	strace s3  }
0x97: {  	_ =	strace $0x8FFFFFFF  }
0x98: {  	s19 =	sld [smem:$0x3FDB];
	_ =	sdelay $0x1  }
0x99: {  	s4 =	simm.s32 $_scs_section_size  }
0x9a: {  	s5 =	simm.s32 $_size__tile_overlayer_lowered;
	s6 =	simm.s32 $_tile_overlayer_lowered  }
0x9b: {  	s22 =	simm.s32 $0x1BFF;
	s21 =	sshll.u32 s6, $0x1;
	s3 =	sadd.s32 s4, s19  }
0x9c: {  	s7 =	simm.s32 $0x0;
	s20 =	sshll.u32 s5, $0x1;
	s5 =	sadd.s32 s21, s3  }
0x9d: {  	[timem:s7], [sflag:s22] =	dma.local [hbm:s5], s20  }
0x9e: {  	_ =	swait.ge [sflag:s22], s20  }
0x9f: {  	s4 =	ssub.s32 $0x0, s20;
	[sflag:s22] =	ssyncset.done $0x0  }
0xa0: {  	[sflag:s22] =	ssyncadd.s32 s4;
	_ =	sdelay $0x1  }
0xa1: {  	s23 =	simm.s32 $0x1B8B  }
0xa2: {  	_ =	swait.ge [sflag:s23], $0x1  }
0xa3: {  	[sflag:s23] =	ssyncset.done $0x0  }
0xa4: {  	s25 =	simm.s32 $0x1B8E;
	s24 =	sld [smem:$0x3FFE];
	[sflag:s23] =	ssyncadd.s32 $0xFFFFFFFF  }
0xa5: {  	s26 =	simm.s32 $execute0_lowered;
	[smem:$0x3FD2] =	sst s25  }
0xa6: {  	s5 =	sshll.u32 s26, $0x1;
	_ =	strace $0x80000046;
	[dreg:$0x1] =	wrdreg $0xFFFFFFFF  }
0xa7: {  	s28 =	simm.s32 $_size_execute0_lowered;
	s3 =	sadd.s32 s3, s5;
	[dreg:$0x0] =	wrdreg $0x0  }
0xa8: {  	s5 =	sshll.u32 s28, $0x1;
	[dreg:$0x2] =	wrdreg s3  }
0xa9: {  	[dreg:$0x3] =	wrdreg s5  }
0xaa: {  	[dreg:$0x4] =	wrdreg $0xC0  }
0xab: {  	_ =	task [dreg:s7], $0x5FFFF  }
0xac: {  	[dreg:$0x1] =	wrdreg $0xFFFFFFFF  }
0xad: {  	[dreg:$0x0] =	wrdreg $0x60  }
0xae: {  	[dreg:$0x2] =	wrdreg s24  }
0xaf: {  	[dreg:$0x3] =	wrdreg s2  }
0xb0: {  	[dreg:$0x4] =	wrdreg $0x101200  }
0xb1: {  	[dreg:$0x5] =	wrdreg $0x9  }
0xb2: {  	_ =	task.clear_ibuf [dreg:s7], $0x6FFFF;
	_ =	strace $0x90000046  }
0xb3: {  	s29 =	simm.s32 $0x9;
	_ =	strace $0x80000048  }
0xb4: {  	_ =	swait.ge [sflag:s29], $0x1  }
0xb5: {  	[sflag:s29] =	ssyncadd.s32 $0xFFFFFFFF  }
0xb6: {  	_ =	strace $0x90000048  }
0xb7: {  	_ =	sfence  }
0xb8: {  	s30 =	sld [smem:$0x0];
	_ =	sdelay $0x2  }
0xb9: {  	s31 =	sshll.u32 s1, $0xD;
	s1 =	sshrl.u32 s1, $0x2  }
0xba: {  	s3 =	sand.u32 $0x4000, s31;
	s1 =	sadd.s32 s1, s30  }
0xbb: {  	s0 =	sor.u32 s3, s0;
	s1 =	sshll.u32 s1, $0x11  }
0xbc: {  	s0 =	sor.u32 s1, s0  }
0xbd: {  	s0 =	sadd.s32 $0x8F2B, s0  }
0xbe: {  	[sflag:s0] =	ssyncadd.remote.s32 $0x1  }
0xbf: {  	_ =	sfence.sel $0xFFFF  }
0xc0: {  	[dreg:$0x0] =	wrdreg $0xFFFFFFFF;
	(pc) =	sbr.abs _section_cstart, $3  }
0xc1: {  	[dreg:$0x1] =	wrdreg $0xFFFFFFFF  }
0xc2: {  	_ =	task.clear_ibuf [dreg:s7], $0x2FFFF;
	_ =	strace $0x9FFFFFFF  }
0xc3: {  	(tm) =	ssettm $0x7FFFFFFF  }
tec
execute0_lowered:
.L_overlay_start_1:
0x0: {  	(tag) =	ssettag $0x1  }
0x1: {  	s13 =	rddreg [dreg:$0x0]  }
0x2: {  	s0 =	srdreg.scid;
	s15 =	rddreg [dreg:$0x1]  }
0x3: {  	s17 =	stileid.u32;
	s1 =	rddreg [dreg:$0x2]  }
0x4: {  	s20 =	simm.s32 $0x2;
	s21 =	simm.s32 $0xC40;
	s22 =	simm.s32 $0x1880  }
0x5: {  	s23 =	simm.s32 $0x24C0;
	s24 =	simm.s32 $0x9F40;
	s28 =	simm.s32 $0xCAC0  }
0x6: {  	s30 =	simm.s32 $0x3;
	s31 =	simm.s32 $0x3100;
	s29 =	simm.s32 $0x6200  }
0x7: {  	s0 =	sand.u32 $0x1, s0;
	s10 =	sadd.s32 $0x3578, s13;
	s11 =	sadd.s32 $0x664C, s13  }
0x8: {  	s12 =	sadd.s32 $0x9720, s13;
	s14 =	sadd.s32 $0x2F78, s15;
	p0 =	sne.s32 s17, $0x0  }
0x9: {  	s2 =	sshll.u32 s0, $0x4;
	s4 =	sshll.u32 s0, $0x9;
	s0 =	ssub.s32 $0x2, s0  }
0xa: {  	s18 =	sshrl.u32 @!p0 s1, $0x3;
	s19 =	sor.u32 s17, s2;
	s2 =	simm.s32 $0x0  }
0xb: {  	s16 =	sadd.s32 s4, s13;
	s26 =	sshrl.u32 s0, $0x1;
	s3 =	smul.u32 $0xC40, s19  }
0xc: {  	[smem:$0x7FF] =	sst s2;
	s0 =	ssub.s32 s0, s26;
	s16 =	sadd.s32 $0xCA00, s16  }
0xd: {  	p1 =	seq.s32 s19, $0x1F;
	p2 =	sne.s32 s19, $0x1F;
	s19 =	simm.s32 $0x1  }
.Ltmp0:
0xe: {  	s26 =	simm.s32 $0x0;
	_ =	strace $0x80000047;
	(pc) =	sbr.rel .LBB2_1-.Ltmp0, $4  }
0xf: {  	s17 =	smax.u32 s0, $0x1;
	s8 =	sshrl.u32 s3, $0x3;
	s3 =	sadd.s32 $0x400, s13  }
0x10: {  	s7 =	sadd.s32 s8, s13;
	s8 =	sadd.s32 s15, s8;
	s13 =	sadd.s32 $0xC7F4, s13  }
0x11: {  	v0 =	vlaneseq.u32;
	s15 =	sadd.s32 $0x3026, s15;
	s4 =	sadd.s32 $0x600, s7;
	s5 =	sadd.s32 $0x36D4, s7  }
0x12: {  	v1 =	vor.u32 $0xFFFFFFF8, v0;
	v2 =	vmul.u32 $0x8, v0;
	s6 =	sadd.s32 $0x67A8, s7;
	s7 =	sadd.s32 $0x987C, s7;
	s9 =	sadd.s32 $0xC4, s8  }
.LBB2_11:
0x13: {  	_ =	sdelay $0x3  }
0x14: {  	[tilespmem:v4+s29+$0x0] =	vst.idx.msk $0xffff, v6  }
0x15: {  	[tilespmem:v5+s29+$0x0] =	vst.idx.msk $0xffff, v7  }
0x16: {  	v4 =	vld.idx.msk [tilespmem:v3+s21+$0x0], $0xffff  }
0x17: {  	v5 =	vld.idx.msk [tilespmem:v3+s22+$0x0], $0xffff;
	_ =	sdelay $0x1  }
0x18: {  	v6 =	vld.idx.msk [tilespmem:v3+s23+$0x0], $0xffff;
	_ =	sdelay $0x2  }
0x19: {  	v58 =	vmul.f32 v4, v4;
	v8 =	vmul.f32 v5, v5;
	_ =	sdelay $0x1  }
0x1a: {  	v59 =	vmul.f32 v6, v6;
	v7 =	vadd.f32 v8, v58;
	_ =	sdelay $0x1  }
0x1b: {  	v7 =	vadd.f32 v59, v7;
	_ =	sdelay $0x1  }
0x1c: {  	v8 =	vshra.s32 v7, $0x1;
	v7 =	vmul.f32 $5.000000000e-01, v7  }
0x1d: {  	v8 =	vsub.s32 $0x5F3759DF, v8  }
0x1e: {  	v9 =	vmul.f32 v8, v7;
	_ =	sdelay $0x1  }
0x1f: {  	v9 =	vmul.f32 v8, v9;
	_ =	sdelay $0x1  }
0x20: {  	v9 =	vsub.f32 $1.500000000e+00, v9;
	_ =	sdelay $0x1  }
0x21: {  	v8 =	vmul.f32 v8, v9;
	_ =	sdelay $0x1  }
0x22: {  	v7 =	vmul.f32 v8, v7;
	_ =	sdelay $0x1  }
0x23: {  	v7 =	vmul.f32 v7, v8  }
0x24: {  	v3 =	vld.idx.msk [tilespmem:v3+s2+$0x0], $0xffff  }
0x25: {  	v7 =	vsub.f32 $1.500000000e+00, v7  }
0x26: {  	v60 =	vmov s25  }
0x27: {  	v61 =	vshll.u32 v60, $0x3;
	v7 =	vmul.f32 v7, v8  }
0x28: {  	v8 =	vor.u32 v2, v61  }
0x29: {  	v62 =	vor.u32 $0x1, v8;
	v3 =	vmul.f32 v7, v3  }
0x2a: {  	v63 =	vor.u32 $0x2, v8  }
0x2b: {  	v4 =	vmul.f32 v3, v4  }
0x2c: {  	v5 =	vmul.f32 v3, v5  }
0x2d: {  	v3 =	vmul.f32 v3, v6;
	[tilespmem:v8+s29+$0x0] =	vst.idx.msk $0xffff, v4  }
0x2e: {  	[tilespmem:v62+s29+$0x0] =	vst.idx.msk $0xffff, v5  }
0x2f: {  	s1 =	rddreg [dreg:$0x2];
	s0 =	simm.s32 $0x620;
	s25 =	simm.s32 $0x9920;
	[tilespmem:v63+s29+$0x0] =	vst.idx.msk $0xffff, v3  }
0x30: {  	[spmem:s1] =	stream.indirect.scatter.add.f32 [tilespmem:s29], [sflag:$0x3], $0x3, s25, s0, $0xb8;
	[tilespmem:$0x10180] =	vst v63  }
0x31: {  	_ =	swait.ge [sflag:s30], $0x1260  }
0x32: {  	[sflag:s30] =	ssyncset.done $0x0  }
0x33: {  	[sflag:s30] =	ssyncadd.s32 $0xFFFFEDA0  }
0x34: {  	_ =	swait.ge [sflag:s30], $0x1260  }
0x35: {  	[sflag:s30] =	ssyncset.done $0x0  }
0x36: {  	[sflag:s30] =	ssyncadd.s32 $0xFFFFEDA0  }
.LBB2_12:
0x37: {  	[bflag:$0x0] =	sbarrier.arrive $0xFFFF;
	s0 =	simm.s32 @!p0 $0x1C04;
	s26 =	sadd.s32 $0x1, s26  }
0x38: {  	[hbm:s16], [sflag:s0] =	dma.local @!p0 [spmem:s18], $0x200  }
0x39: {  	p3 =	sne.s32 s26, s17  }
.Ltmp1:
0x3a: {  	_ = 	snop;
	(pc) =	sbr.rel @!p3 .LBB2_13-.Ltmp1, $4  }
0x3b: {  	s0 =	simm.s32 @!p0 $0x4  }
0x3c: {  	_ =	swait.ge @!p0 [sflag:s0], $0x200  }
0x3d: {  	[sflag:s0] =	ssyncset.done @!p0 $0x0  }
0x3e: {  	[sflag:s0] =	ssyncadd.s32 @!p0 $0xFFFFFE00  }
.LBB2_1:
0x3f: {  	s0 =	simm.s32 @p1 $0x0  }
0x40: {  	[tilespmem:s0], [sflag:$0x1] =	stream.linear.gather @p1 [hbm4b:s10+s0], $0xAE0, $0x38;
	[tilespmem:$0x10180] =	vst v63  }
0x41: {  	s25 =	simm.s32 @p1 $0xC40  }
0x42: {  	[tilespmem:s25], [sflag:$0x1] =	stream.linear.gather @p1 [hbm4b:s11+s0], $0xAE0, $0x38;
	[tilespmem:$0x10180] =	vst v63  }
0x43: {  	s25 =	simm.s32 @p1 $0x1880  }
0x44: {  	[tilespmem:s25], [sflag:$0x1] =	stream.linear.gather @p1 [hbm4b:s12+s0], $0xAE0, $0x38;
	[tilespmem:$0x10180] =	vst v63  }
0x45: {  	s25 =	simm.s32 @p1 $0x24C0  }
0x46: {  	[tilespmem:s25], [sflag:$0x1] =	stream.linear.gather @p1 [hbm4b:s13+s0], $0xAE0, $0x38;
	[tilespmem:$0x10180] =	vst v63  }
0x47: {  	s25 =	simm.s32 @p1 $0xF640  }
0x48: {  	[tilespmem:s25], [sflag:$0x2] =	stream.linear.gather @p1 [hbm4b:s14+s0], $0x570, $0x38;
	[tilespmem:$0x10180] =	vst v63  }
0x49: {  	s25 =	simm.s32 @p1 $0xFBB0  }
0x4a: {  	[tilespmem:s25], [sflag:$0x2] =	stream.linear.gather @p1 [hbm4b:s15+s0], $0x570, $0x38;
	[tilespmem:$0x10180] =	vst v63  }
0x4b: {  	s0 =	simm.s32 @!p1 $0x0  }
0x4c: {  	[tilespmem:s0], [sflag:$0x1] =	stream.linear.gather @!p1 [hbm4b:s4+s0], $0xC40, $0x38;
	[tilespmem:$0x10180] =	vst v63  }
0x4d: {  	s25 =	simm.s32 @!p1 $0xC40  }
0x4e: {  	[tilespmem:s25], [sflag:$0x1] =	stream.linear.gather @!p1 [hbm4b:s5+s0], $0xC40, $0x38;
	[tilespmem:$0x10180] =	vst v63  }
0x4f: {  	s25 =	simm.s32 @!p1 $0x1880  }
0x50: {  	[tilespmem:s25], [sflag:$0x1] =	stream.linear.gather @!p1 [hbm4b:s6+s0], $0xC40, $0x38;
	[tilespmem:$0x10180] =	vst v63  }
0x51: {  	s25 =	simm.s32 @!p1 $0x24C0  }
0x52: {  	[tilespmem:s25], [sflag:$0x1] =	stream.linear.gather @!p1 [hbm4b:s7+s0], $0xC40, $0x38;
	[tilespmem:$0x10180] =	vst v63  }
0x53: {  	s25 =	simm.s32 @!p1 $0x9300  }
0x54: {  	[tilespmem:s25], [sflag:$0x2] =	stream.linear.gather @!p1 [hbm4b:s8+s0], $0x620, $0x38;
	[tilespmem:$0x10180] =	vst v63  }
0x55: {  	s25 =	simm.s32 @!p1 $0x9920  }
0x56: {  	[tilespmem:s25], [sflag:$0x2] =	stream.linear.gather @!p1 [hbm4b:s9+s0], $0x620, $0x38;
	[tilespmem:$0x10180] =	vst v63  }
0x57: {  	s0 =	simm.s32 @!p0 $0x1C04  }
0x58: {  	[spmem:s18], [sflag:s0] =	dma.local @!p0 [hbm:s3], $0x200  }
0x59: {  	s0 =	simm.s32 @!p0 $0x4  }
.Ltmp2:
0x5a: {  	_ =	swait.ge @!p0 [sflag:s0], $0x200;
	(pc) =	sbr.rel @p2 .LBB2_7-.Ltmp2, $3  }
0x5b: {  	[sflag:s0] =	ssyncset.done @!p0 $0x0  }
0x5c: {  	[sflag:s0] =	ssyncadd.s32 @!p0 $0xFFFFFE00  }
0x5d: {  	[bflag:$0x0] =	sbarrier.arrive $0xFFFF;
	_ =	sdelay $0x1  }
0x5e: {  	_ =	swait.ge [sflag:s19], $0xAE0  }
0x5f: {  	[sflag:s19] =	ssyncset.done $0x0  }
0x60: {  	[sflag:s19] =	ssyncadd.s32 $0xFFFFF520  }
0x61: {  	_ =	swait.ge [sflag:s19], $0xAE0  }
0x62: {  	[sflag:s19] =	ssyncset.done $0x0  }
0x63: {  	[sflag:s19] =	ssyncadd.s32 $0xFFFFF520  }
0x64: {  	_ =	swait.ge [sflag:s19], $0xAE0  }
0x65: {  	[sflag:s19] =	ssyncset.done $0x0  }
0x66: {  	s0 =	simm.s32 $0x0;
	[sflag:s19] =	ssyncadd.s32 $0xFFFFF520  }
0x67: {  	v3 =	vor.u32 s0, v0;
	_ =	swait.ge [sflag:s19], $0xAE0  }
0x68: {  	v4 =	vand.u32 v1, v3;
	[sflag:s19] =	ssyncset.done $0x0  }
0x69: {  	[sflag:s19] =	ssyncadd.s32 $0xFFFFF520  }
0x6a: {  	_ =	swait.ge [sflag:s20], $0x570  }
0x6b: {  	[sflag:s20] =	ssyncset.done $0x0  }
0x6c: {  	[sflag:s20] =	ssyncadd.s32 $0xFFFFFA90  }
0x6d: {  	v5 =	vld.idx.msk [tilespmem:v4+s21+$0x0], $0xffff  }
0x6e: {  	v7 =	vld.idx.msk [tilespmem:v4+s22+$0x0], $0xffff;
	_ =	sdelay $0x1  }
0x6f: {  	v8 =	vld.idx.msk [tilespmem:v4+s23+$0x0], $0xffff;
	_ =	sdelay $0x2  }
0x70: {  	v6 =	vmul.f32 v5, v5;
	v9 =	vmul.f32 v7, v7;
	_ =	sdelay $0x1  }
0x71: {  	v6 =	vadd.f32 v9, v6;
	v9 =	vmul.f32 v8, v8;
	_ =	sdelay $0x1  }
0x72: {  	v6 =	vadd.f32 v9, v6;
	_ =	sdelay $0x1  }
0x73: {  	v9 =	vshra.s32 v6, $0x1;
	v6 =	vmul.f32 $5.000000000e-01, v6  }
0x74: {  	v9 =	vsub.s32 $0x5F3759DF, v9  }
0x75: {  	v10 =	vmul.f32 v9, v6;
	_ =	sdelay $0x1  }
0x76: {  	v10 =	vmul.f32 v9, v10;
	_ =	sdelay $0x1  }
0x77: {  	v10 =	vsub.f32 $1.500000000e+00, v10;
	_ =	sdelay $0x1  }
0x78: {  	v9 =	vmul.f32 v9, v10;
	_ =	sdelay $0x1  }
0x79: {  	v6 =	vmul.f32 v9, v6;
	_ =	sdelay $0x1  }
0x7a: {  	v6 =	vmul.f32 v6, v9  }
0x7b: {  	v4 =	vld.idx.msk [tilespmem:v4+s2+$0x0], $0xffff  }
0x7c: {  	v6 =	vsub.f32 $1.500000000e+00, v6;
	_ =	sdelay $0x1  }
0x7d: {  	v6 =	vmul.f32 v6, v9;
	_ =	sdelay $0x1  }
0x7e: {  	v10 =	vmul.f32 v6, v4  }
0x7f: {  	v9 =	vshll.u32 v3, $0x3  }
0x80: {  	s25 =	simm.s32 $0x10;
	v11 =	vmul.f32 v10, v5;
	v5 =	vor.u32 $0x1, v9  }
0x81: {  	v3 =	vor.u32 s25, v0;
	v6 =	vor.u32 $0x2, v9  }
0x82: {  	v4 =	vand.u32 v1, v3  }
0x83: {  	v7 =	vmul.f32 v10, v7  }
0x84: {  	s0 =	simm.s32 $0x20;
	v8 =	vmul.f32 v10, v8;
	[tilespmem:v9+s24+$0x0] =	vst.idx.msk $0xffff, v11  }
.LBB2_3:
0x85: {  	p3 =	sne.s32 s0, $0x560;
	[tilespmem:v5+s24+$0x0] =	vst.idx.msk $0xffff, v7  }
0x86: {  	[tilespmem:v6+s24+$0x0] =	vst.idx.msk $0xffff, v8  }
0x87: {  	v7 =	vld.idx.msk [tilespmem:v4+s21+$0x0], $0xffff  }
0x88: {  	v8 =	vld.idx.msk [tilespmem:v4+s22+$0x0], $0xffff  }
0x89: {  	v9 =	vld.idx.msk [tilespmem:v4+s23+$0x0], $0xffff  }
0x8a: {  	v4 =	vld.idx.msk [tilespmem:v4+s2+$0x0], $0xffff;
	_ =	sdelay $0x3  }
0x8b: {  	v5 =	vmul.f32 v7, v7;
	v6 =	vmul.f32 v8, v8;
	_ =	sdelay $0x1  }
0x8c: {  	v5 =	vadd.f32 v6, v5;
	v6 =	vmul.f32 v9, v9;
	_ =	sdelay $0x1  }
0x8d: {  	v5 =	vadd.f32 v6, v5;
	_ =	sdelay $0x1  }
0x8e: {  	v6 =	vshra.s32 v5, $0x1;
	v5 =	vmul.f32 $5.000000000e-01, v5  }
0x8f: {  	v6 =	vsub.s32 $0x5F3759DF, v6  }
0x90: {  	v10 =	vmul.f32 v6, v5;
	_ =	sdelay $0x1  }
0x91: {  	v10 =	vmul.f32 v6, v10;
	_ =	sdelay $0x1  }
0x92: {  	v10 =	vsub.f32 $1.500000000e+00, v10;
	_ =	sdelay $0x1  }
0x93: {  	v6 =	vmul.f32 v6, v10;
	_ =	sdelay $0x1  }
0x94: {  	v5 =	vmul.f32 v6, v5;
	_ =	sdelay $0x1  }
0x95: {  	v5 =	vmul.f32 v5, v6;
	_ =	sdelay $0x1  }
0x96: {  	v5 =	vsub.f32 $1.500000000e+00, v5;
	_ =	sdelay $0x1  }
0x97: {  	v5 =	vmul.f32 v5, v6  }
0x98: {  	v10 =	vshll.u32 v3, $0x3  }
.Ltmp3:
0x99: {  	v11 =	vmul.f32 v5, v4;
	v5 =	vor.u32 $0x1, v10;
	(pc) =	sbr.rel @p3 .LBB2_3-.Ltmp3, $4  }
0x9a: {  	v3 =	vor.u32 s0, v0;
	v6 =	vor.u32 $0x2, v10  }
0x9b: {  	v4 =	vand.u32 v1, v3;
	v12 =	vmul.f32 v11, v7  }
0x9c: {  	v7 =	vmul.f32 v11, v8  }
0x9d: {  	s0 =	sadd.s32 $0x10, s0;
	v8 =	vmul.f32 v11, v9;
	[tilespmem:v10+s24+$0x0] =	vst.idx.msk $0xffff, v12  }
0x9e: {  	_ =	sdelay $0x3  }
0x9f: {  	[tilespmem:v5+s24+$0x0] =	vst.idx.msk $0xffff, v7  }
0xa0: {  	[tilespmem:v6+s24+$0x0] =	vst.idx.msk $0xffff, v8  }
0xa1: {  	v5 =	vld.idx.msk [tilespmem:v4+s21+$0x0], $0xffff  }
0xa2: {  	v6 =	vld.idx.msk [tilespmem:v4+s22+$0x0], $0xffff;
	_ =	sdelay $0x1  }
0xa3: {  	v7 =	vld.idx.msk [tilespmem:v4+s23+$0x0], $0xffff;
	_ =	sdelay $0x2  }
0xa4: {  	v8 =	vmul.f32 v5, v5;
	v9 =	vmul.f32 v6, v6;
	_ =	sdelay $0x1  }
0xa5: {  	v58 =	vmul.f32 v7, v7;
	v8 =	vadd.f32 v9, v8;
	_ =	sdelay $0x1  }
0xa6: {  	v8 =	vadd.f32 v58, v8;
	_ =	sdelay $0x1  }
0xa7: {  	v9 =	vshra.s32 v8, $0x1;
	v8 =	vmul.f32 $5.000000000e-01, v8  }
0xa8: {  	v9 =	vsub.s32 $0x5F3759DF, v9  }
0xa9: {  	v10 =	vmul.f32 v9, v8;
	_ =	sdelay $0x1  }
0xaa: {  	v10 =	vmul.f32 v9, v10;
	_ =	sdelay $0x1  }
0xab: {  	v10 =	vsub.f32 $1.500000000e+00, v10;
	_ =	sdelay $0x1  }
0xac: {  	v9 =	vmul.f32 v9, v10;
	_ =	sdelay $0x1  }
0xad: {  	v8 =	vmul.f32 v9, v8;
	_ =	sdelay $0x1  }
0xae: {  	v8 =	vmul.f32 v8, v9  }
0xaf: {  	v4 =	vld.idx.msk [tilespmem:v4+s2+$0x0], $0xffff  }
0xb0: {  	v8 =	vsub.f32 $1.500000000e+00, v8;
	_ =	sdelay $0x1  }
0xb1: {  	v8 =	vmul.f32 v8, v9  }
0xb2: {  	v3 =	vshll.u32 v3, $0x3  }
0xb3: {  	v4 =	vmul.f32 v8, v4;
	v8 =	vor.u32 $0x1, v3  }
0xb4: {  	v59 =	vor.u32 $0x2, v3  }
0xb5: {  	v5 =	vmul.f32 v4, v5  }
0xb6: {  	v6 =	vmul.f32 v4, v6  }
0xb7: {  	[tilespmem:v3+s24+$0x0] =	vst.idx.msk $0xffff, v5;
	v3 =	vmul.f32 v4, v7  }
0xb8: {  	s0 =	simm.s32 $0x570;
	[tilespmem:v8+s24+$0x0] =	vst.idx.msk $0xffff, v6  }
0xb9: {  	s25 =	simm.s32 $0xF640;
	[tilespmem:v59+s24+$0x0] =	vst.idx.msk $0xffff, v3;
	v3 =	vor.u32 s0, v0;
	s0 =	simm.s32 $0x570  }
0xba: {  	[spmem:s1] =	stream.indirect.scatter.add.f32 [tilespmem:s24], [sflag:$0x3], $0x3, s25, s0, $0xb8;
	[tilespmem:$0x10180] =	vst v63  }
0xbb: {  	_ =	swait.ge [sflag:s20], $0x570  }
0xbc: {  	[sflag:s20] =	ssyncset.done $0x0  }
0xbd: {  	[sflag:s20] =	ssyncadd.s32 $0xFFFFFA90  }
0xbe: {  	v4 =	vld.idx.msk [tilespmem:v3+s21+$0x0], $0xffff  }
0xbf: {  	v6 =	vld.idx.msk [tilespmem:v3+s22+$0x0], $0xffff;
	_ =	sdelay $0x1  }
0xc0: {  	v7 =	vld.idx.msk [tilespmem:v3+s23+$0x0], $0xffff;
	_ =	sdelay $0x2  }
0xc1: {  	v5 =	vmul.f32 v4, v4;
	v8 =	vmul.f32 v6, v6;
	_ =	sdelay $0x1  }
0xc2: {  	v5 =	vadd.f32 v8, v5;
	v8 =	vmul.f32 v7, v7;
	_ =	sdelay $0x1  }
0xc3: {  	v5 =	vadd.f32 v8, v5;
	_ =	sdelay $0x1  }
0xc4: {  	v8 =	vshra.s32 v5, $0x1;
	v5 =	vmul.f32 $5.000000000e-01, v5  }
0xc5: {  	v8 =	vsub.s32 $0x5F3759DF, v8  }
0xc6: {  	v60 =	vmul.f32 v8, v5;
	_ =	sdelay $0x1  }
0xc7: {  	v9 =	vmul.f32 v8, v60;
	_ =	sdelay $0x1  }
0xc8: {  	v9 =	vsub.f32 $1.500000000e+00, v9;
	_ =	sdelay $0x1  }
0xc9: {  	v8 =	vmul.f32 v8, v9;
	_ =	sdelay $0x1  }
0xca: {  	v5 =	vmul.f32 v8, v5;
	_ =	sdelay $0x1  }
0xcb: {  	v5 =	vmul.f32 v5, v8  }
0xcc: {  	v3 =	vld.idx.msk [tilespmem:v3+s2+$0x0], $0xffff  }
0xcd: {  	v5 =	vsub.f32 $1.500000000e+00, v5;
	_ =	sdelay $0x1  }
0xce: {  	s25 =	simm.s32 $0x0;
	v5 =	vmul.f32 v5, v8  }
0xcf: {  	v61 =	vmov s25  }
0xd0: {  	v8 =	vshll.u32 v61, $0x3;
	v62 =	vmul.f32 v5, v3  }
0xd1: {  	v8 =	vor.u32 v2, v8  }
0xd2: {  	v63 =	vmul.f32 v62, v4;
	v4 =	vor.u32 $0x1, v8  }
0xd3: {  	s1 =	simm.s32 $0x580;
	v5 =	vor.u32 $0x2, v8  }
0xd4: {  	v3 =	vor.u32 s1, v0  }
0xd5: {  	v6 =	vmul.f32 v62, v6  }
0xd6: {  	s0 =	simm.s32 $0x20;
	s25 =	simm.s32 $0x10;
	v7 =	vmul.f32 v62, v7;
	[tilespmem:v8+s28+$0x0] =	vst.idx.msk $0xffff, v63  }
.LBB2_5:
0xd7: {  	p3 =	sne.s32 s0, $0x560;
	[tilespmem:v4+s28+$0x0] =	vst.idx.msk $0xffff, v6  }
0xd8: {  	[tilespmem:v5+s28+$0x0] =	vst.idx.msk $0xffff, v7  }
0xd9: {  	v6 =	vld.idx.msk [tilespmem:v3+s21+$0x0], $0xffff  }
0xda: {  	v7 =	vld.idx.msk [tilespmem:v3+s22+$0x0], $0xffff  }
0xdb: {  	v8 =	vld.idx.msk [tilespmem:v3+s23+$0x0], $0xffff  }
0xdc: {  	v3 =	vld.idx.msk [tilespmem:v3+s2+$0x0], $0xffff;
	_ =	sdelay $0x3  }
0xdd: {  	v4 =	vmul.f32 v6, v6;
	v5 =	vmul.f32 v7, v7;
	_ =	sdelay $0x1  }
0xde: {  	v4 =	vadd.f32 v5, v4;
	v5 =	vmul.f32 v8, v8;
	_ =	sdelay $0x1  }
0xdf: {  	v4 =	vadd.f32 v5, v4;
	_ =	sdelay $0x1  }
0xe0: {  	v5 =	vshra.s32 v4, $0x1;
	v4 =	vmul.f32 $5.000000000e-01, v4  }
0xe1: {  	v5 =	vsub.s32 $0x5F3759DF, v5  }
0xe2: {  	v9 =	vmul.f32 v5, v4;
	_ =	sdelay $0x1  }
0xe3: {  	v9 =	vmul.f32 v5, v9;
	_ =	sdelay $0x1  }
0xe4: {  	v9 =	vsub.f32 $1.500000000e+00, v9;
	_ =	sdelay $0x1  }
0xe5: {  	v5 =	vmul.f32 v5, v9;
	_ =	sdelay $0x1  }
0xe6: {  	v4 =	vmul.f32 v5, v4;
	_ =	sdelay $0x1  }
0xe7: {  	v4 =	vmul.f32 v4, v5;
	_ =	sdelay $0x1  }
0xe8: {  	v4 =	vsub.f32 $1.500000000e+00, v4  }
0xe9: {  	v9 =	vmov s25;
	s25 =	smov.u32 s0  }
0xea: {  	v4 =	vmul.f32 v4, v5;
	v5 =	vshll.u32 v9, $0x3  }
0xeb: {  	v9 =	vor.u32 v2, v5  }
.Ltmp4:
0xec: {  	v10 =	vmul.f32 v4, v3;
	v4 =	vor.u32 $0x1, v9;
	(pc) =	sbr.rel @p3 .LBB2_5-.Ltmp4, $4  }
0xed: {  	s1 =	sadd.s32 $0x570, s0;
	v5 =	vor.u32 $0x2, v9  }
0xee: {  	v3 =	vor.u32 s1, v0;
	v11 =	vmul.f32 v10, v6  }
0xef: {  	v6 =	vmul.f32 v10, v7  }
0xf0: {  	s0 =	sadd.s32 $0x10, s0;
	v7 =	vmul.f32 v10, v8;
	[tilespmem:v9+s28+$0x0] =	vst.idx.msk $0xffff, v11  }
0xf1: {  	_ =	sdelay $0x3  }
0xf2: {  	[tilespmem:v4+s28+$0x0] =	vst.idx.msk $0xffff, v6  }
0xf3: {  	[tilespmem:v5+s28+$0x0] =	vst.idx.msk $0xffff, v7  }
0xf4: {  	v4 =	vld.idx.msk [tilespmem:v3+s21+$0x0], $0xffff  }
0xf5: {  	v5 =	vld.idx.msk [tilespmem:v3+s22+$0x0], $0xffff;
	_ =	sdelay $0x1  }
0xf6: {  	v6 =	vld.idx.msk [tilespmem:v3+s23+$0x0], $0xffff;
	_ =	sdelay $0x2  }
0xf7: {  	v58 =	vmul.f32 v4, v4;
	v8 =	vmul.f32 v5, v5;
	_ =	sdelay $0x1  }
0xf8: {  	v59 =	vmul.f32 v6, v6;
	v7 =	vadd.f32 v8, v58;
	_ =	sdelay $0x1  }
0xf9: {  	v7 =	vadd.f32 v59, v7;
	_ =	sdelay $0x1  }
0xfa: {  	v8 =	vshra.s32 v7, $0x1;
	v7 =	vmul.f32 $5.000000000e-01, v7  }
0xfb: {  	v8 =	vsub.s32 $0x5F3759DF, v8  }
0xfc: {  	v9 =	vmul.f32 v8, v7;
	_ =	sdelay $0x1  }
0xfd: {  	v9 =	vmul.f32 v8, v9;
	_ =	sdelay $0x1  }
0xfe: {  	v9 =	vsub.f32 $1.500000000e+00, v9;
	_ =	sdelay $0x1  }
0xff: {  	v8 =	vmul.f32 v8, v9;
	_ =	sdelay $0x1  }
0x100: {  	v7 =	vmul.f32 v8, v7;
	_ =	sdelay $0x1  }
0x101: {  	v7 =	vmul.f32 v7, v8  }
0x102: {  	v3 =	vld.idx.msk [tilespmem:v3+s2+$0x0], $0xffff  }
0x103: {  	v7 =	vsub.f32 $1.500000000e+00, v7  }
0x104: {  	v60 =	vmov s25  }
0x105: {  	v61 =	vshll.u32 v60, $0x3;
	v7 =	vmul.f32 v7, v8  }
0x106: {  	v8 =	vor.u32 v2, v61  }
0x107: {  	v62 =	vor.u32 $0x1, v8;
	v3 =	vmul.f32 v7, v3  }
0x108: {  	v63 =	vor.u32 $0x2, v8  }
0x109: {  	v4 =	vmul.f32 v3, v4  }
0x10a: {  	v5 =	vmul.f32 v3, v5  }
0x10b: {  	v3 =	vmul.f32 v3, v6;
	[tilespmem:v8+s28+$0x0] =	vst.idx.msk $0xffff, v4  }
0x10c: {  	[tilespmem:v62+s28+$0x0] =	vst.idx.msk $0xffff, v5  }
0x10d: {  	s1 =	rddreg [dreg:$0x2];
	s0 =	simm.s32 $0x570;
	s25 =	simm.s32 $0xFBB0;
	[tilespmem:v63+s28+$0x0] =	vst.idx.msk $0xffff, v3  }
0x10e: {  	[spmem:s1] =	stream.indirect.scatter.add.f32 [tilespmem:s28], [sflag:$0x3], $0x3, s25, s0, $0xb8;
	[tilespmem:$0x10180] =	vst v63  }
0x10f: {  	_ =	swait.ge [sflag:s30], $0x1050  }
.Ltmp5:
0x110: {  	[sflag:s30] =	ssyncset.done $0x0;
	(pc) =	sbr.rel .LBB2_12-.Ltmp5, $4  }
0x111: {  	[sflag:s30] =	ssyncadd.s32 $0xFFFFEFB0  }
0x112: {  	_ =	swait.ge [sflag:s30], $0x1050  }
0x113: {  	[sflag:s30] =	ssyncset.done $0x0  }
0x114: {  	[sflag:s30] =	ssyncadd.s32 $0xFFFFEFB0  }
.LBB2_7:
0x115: {  	_ =	swait.ge [sflag:s19], $0xC40  }
0x116: {  	[sflag:s19] =	ssyncset.done $0x0  }
0x117: {  	[sflag:s19] =	ssyncadd.s32 $0xFFFFF3C0  }
0x118: {  	_ =	swait.ge [sflag:s19], $0xC40  }
0x119: {  	[sflag:s19] =	ssyncset.done $0x0  }
0x11a: {  	[sflag:s19] =	ssyncadd.s32 $0xFFFFF3C0  }
0x11b: {  	_ =	swait.ge [sflag:s19], $0xC40  }
0x11c: {  	[sflag:s19] =	ssyncset.done $0x0  }
0x11d: {  	s0 =	simm.s32 $0x0;
	[sflag:s19] =	ssyncadd.s32 $0xFFFFF3C0  }
0x11e: {  	v3 =	vor.u32 s0, v0;
	_ =	swait.ge [sflag:s19], $0xC40  }
0x11f: {  	v4 =	vand.u32 v1, v3;
	[sflag:s19] =	ssyncset.done $0x0  }
0x120: {  	[sflag:s19] =	ssyncadd.s32 $0xFFFFF3C0  }
0x121: {  	_ =	swait.ge [sflag:s20], $0x620  }
0x122: {  	[sflag:s20] =	ssyncset.done $0x0  }
0x123: {  	[sflag:s20] =	ssyncadd.s32 $0xFFFFF9E0  }
0x124: {  	v5 =	vld.idx.msk [tilespmem:v4+s21+$0x0], $0xffff  }
0x125: {  	v7 =	vld.idx.msk [tilespmem:v4+s22+$0x0], $0xffff;
	_ =	sdelay $0x1  }
0x126: {  	v8 =	vld.idx.msk [tilespmem:v4+s23+$0x0], $0xffff;
	_ =	sdelay $0x2  }
0x127: {  	v6 =	vmul.f32 v5, v5;
	v9 =	vmul.f32 v7, v7;
	_ =	sdelay $0x1  }
0x128: {  	v6 =	vadd.f32 v9, v6;
	v9 =	vmul.f32 v8, v8;
	_ =	sdelay $0x1  }
0x129: {  	v6 =	vadd.f32 v9, v6;
	_ =	sdelay $0x1  }
0x12a: {  	v9 =	vshra.s32 v6, $0x1;
	v6 =	vmul.f32 $5.000000000e-01, v6  }
0x12b: {  	v9 =	vsub.s32 $0x5F3759DF, v9  }
0x12c: {  	v10 =	vmul.f32 v9, v6;
	_ =	sdelay $0x1  }
0x12d: {  	v10 =	vmul.f32 v9, v10;
	_ =	sdelay $0x1  }
0x12e: {  	v10 =	vsub.f32 $1.500000000e+00, v10;
	_ =	sdelay $0x1  }
0x12f: {  	v9 =	vmul.f32 v9, v10;
	_ =	sdelay $0x1  }
0x130: {  	v6 =	vmul.f32 v9, v6;
	_ =	sdelay $0x1  }
0x131: {  	v6 =	vmul.f32 v6, v9  }
0x132: {  	v4 =	vld.idx.msk [tilespmem:v4+s2+$0x0], $0xffff  }
0x133: {  	v6 =	vsub.f32 $1.500000000e+00, v6;
	_ =	sdelay $0x1  }
0x134: {  	v6 =	vmul.f32 v6, v9;
	_ =	sdelay $0x1  }
0x135: {  	v10 =	vmul.f32 v6, v4  }
0x136: {  	v9 =	vshll.u32 v3, $0x3  }
0x137: {  	s25 =	simm.s32 $0x10;
	v11 =	vmul.f32 v10, v5;
	v5 =	vor.u32 $0x1, v9  }
0x138: {  	v3 =	vor.u32 s25, v0;
	v6 =	vor.u32 $0x2, v9  }
0x139: {  	v4 =	vand.u32 v1, v3  }
0x13a: {  	v7 =	vmul.f32 v10, v7  }
0x13b: {  	s0 =	simm.s32 $0x20;
	v8 =	vmul.f32 v10, v8;
	[tilespmem:v9+s31+$0x0] =	vst.idx.msk $0xffff, v11  }
.LBB2_8:
0x13c: {  	p3 =	sne.s32 s0, $0x610;
	[tilespmem:v5+s31+$0x0] =	vst.idx.msk $0xffff, v7  }
0x13d: {  	[tilespmem:v6+s31+$0x0] =	vst.idx.msk $0xffff, v8  }
0x13e: {  	v7 =	vld.idx.msk [tilespmem:v4+s21+$0x0], $0xffff  }
0x13f: {  	v8 =	vld.idx.msk [tilespmem:v4+s22+$0x0], $0xffff  }
0x140: {  	v9 =	vld.idx.msk [tilespmem:v4+s23+$0x0], $0xffff  }
0x141: {  	v4 =	vld.idx.msk [tilespmem:v4+s2+$0x0], $0xffff;
	_ =	sdelay $0x3  }
0x142: {  	v5 =	vmul.f32 v7, v7;
	v6 =	vmul.f32 v8, v8;
	_ =	sdelay $0x1  }
0x143: {  	v5 =	vadd.f32 v6, v5;
	v6 =	vmul.f32 v9, v9;
	_ =	sdelay $0x1  }
0x144: {  	v5 =	vadd.f32 v6, v5;
	_ =	sdelay $0x1  }
0x145: {  	v6 =	vshra.s32 v5, $0x1;
	v5 =	vmul.f32 $5.000000000e-01, v5  }
0x146: {  	v6 =	vsub.s32 $0x5F3759DF, v6  }
0x147: {  	v10 =	vmul.f32 v6, v5;
	_ =	sdelay $0x1  }
0x148: {  	v10 =	vmul.f32 v6, v10;
	_ =	sdelay $0x1  }
0x149: {  	v10 =	vsub.f32 $1.500000000e+00, v10;
	_ =	sdelay $0x1  }
0x14a: {  	v6 =	vmul.f32 v6, v10;
	_ =	sdelay $0x1  }
0x14b: {  	v5 =	vmul.f32 v6, v5;
	_ =	sdelay $0x1  }
0x14c: {  	v5 =	vmul.f32 v5, v6;
	_ =	sdelay $0x1  }
0x14d: {  	v5 =	vsub.f32 $1.500000000e+00, v5;
	_ =	sdelay $0x1  }
0x14e: {  	v5 =	vmul.f32 v5, v6  }
0x14f: {  	v10 =	vshll.u32 v3, $0x3  }
.Ltmp6:
0x150: {  	v11 =	vmul.f32 v5, v4;
	v5 =	vor.u32 $0x1, v10;
	(pc) =	sbr.rel @p3 .LBB2_8-.Ltmp6, $4  }
0x151: {  	v3 =	vor.u32 s0, v0;
	v6 =	vor.u32 $0x2, v10  }
0x152: {  	v4 =	vand.u32 v1, v3;
	v12 =	vmul.f32 v11, v7  }
0x153: {  	v7 =	vmul.f32 v11, v8  }
0x154: {  	s0 =	sadd.s32 $0x10, s0;
	v8 =	vmul.f32 v11, v9;
	[tilespmem:v10+s31+$0x0] =	vst.idx.msk $0xffff, v12  }
0x155: {  	_ =	sdelay $0x3  }
0x156: {  	[tilespmem:v5+s31+$0x0] =	vst.idx.msk $0xffff, v7  }
0x157: {  	[tilespmem:v6+s31+$0x0] =	vst.idx.msk $0xffff, v8  }
0x158: {  	v5 =	vld.idx.msk [tilespmem:v4+s21+$0x0], $0xffff  }
0x159: {  	v6 =	vld.idx.msk [tilespmem:v4+s22+$0x0], $0xffff;
	_ =	sdelay $0x1  }
0x15a: {  	v7 =	vld.idx.msk [tilespmem:v4+s23+$0x0], $0xffff;
	_ =	sdelay $0x2  }
0x15b: {  	v8 =	vmul.f32 v5, v5;
	v9 =	vmul.f32 v6, v6;
	_ =	sdelay $0x1  }
0x15c: {  	v58 =	vmul.f32 v7, v7;
	v8 =	vadd.f32 v9, v8;
	_ =	sdelay $0x1  }
0x15d: {  	v8 =	vadd.f32 v58, v8;
	_ =	sdelay $0x1  }
0x15e: {  	v9 =	vshra.s32 v8, $0x1;
	v8 =	vmul.f32 $5.000000000e-01, v8  }
0x15f: {  	v9 =	vsub.s32 $0x5F3759DF, v9  }
0x160: {  	v10 =	vmul.f32 v9, v8;
	_ =	sdelay $0x1  }
0x161: {  	v10 =	vmul.f32 v9, v10;
	_ =	sdelay $0x1  }
0x162: {  	v10 =	vsub.f32 $1.500000000e+00, v10;
	_ =	sdelay $0x1  }
0x163: {  	v9 =	vmul.f32 v9, v10;
	_ =	sdelay $0x1  }
0x164: {  	v8 =	vmul.f32 v9, v8;
	_ =	sdelay $0x1  }
0x165: {  	v8 =	vmul.f32 v8, v9  }
0x166: {  	v4 =	vld.idx.msk [tilespmem:v4+s2+$0x0], $0xffff  }
0x167: {  	v8 =	vsub.f32 $1.500000000e+00, v8;
	_ =	sdelay $0x1  }
0x168: {  	v8 =	vmul.f32 v8, v9  }
0x169: {  	v3 =	vshll.u32 v3, $0x3  }
0x16a: {  	v4 =	vmul.f32 v8, v4;
	v8 =	vor.u32 $0x1, v3  }
0x16b: {  	v59 =	vor.u32 $0x2, v3  }
0x16c: {  	v5 =	vmul.f32 v4, v5  }
0x16d: {  	v6 =	vmul.f32 v4, v6  }
0x16e: {  	[tilespmem:v3+s31+$0x0] =	vst.idx.msk $0xffff, v5;
	v3 =	vmul.f32 v4, v7  }
0x16f: {  	s0 =	simm.s32 $0x620;
	[tilespmem:v8+s31+$0x0] =	vst.idx.msk $0xffff, v6  }
0x170: {  	s25 =	simm.s32 $0x9300;
	[tilespmem:v59+s31+$0x0] =	vst.idx.msk $0xffff, v3;
	v3 =	vor.u32 s0, v0;
	s0 =	simm.s32 $0x620  }
0x171: {  	[spmem:s1] =	stream.indirect.scatter.add.f32 [tilespmem:s31], [sflag:$0x3], $0x3, s25, s0, $0xb8;
	[tilespmem:$0x10180] =	vst v63  }
0x172: {  	_ =	swait.ge [sflag:s20], $0x620  }
0x173: {  	[sflag:s20] =	ssyncset.done $0x0  }
0x174: {  	[sflag:s20] =	ssyncadd.s32 $0xFFFFF9E0  }
0x175: {  	v4 =	vld.idx.msk [tilespmem:v3+s21+$0x0], $0xffff  }
0x176: {  	v6 =	vld.idx.msk [tilespmem:v3+s22+$0x0], $0xffff;
	_ =	sdelay $0x1  }
0x177: {  	v7 =	vld.idx.msk [tilespmem:v3+s23+$0x0], $0xffff;
	_ =	sdelay $0x2  }
0x178: {  	v5 =	vmul.f32 v4, v4;
	v8 =	vmul.f32 v6, v6;
	_ =	sdelay $0x1  }
0x179: {  	v5 =	vadd.f32 v8, v5;
	v8 =	vmul.f32 v7, v7;
	_ =	sdelay $0x1  }
0x17a: {  	v5 =	vadd.f32 v8, v5;
	_ =	sdelay $0x1  }
0x17b: {  	v8 =	vshra.s32 v5, $0x1;
	v5 =	vmul.f32 $5.000000000e-01, v5  }
0x17c: {  	v8 =	vsub.s32 $0x5F3759DF, v8  }
0x17d: {  	v60 =	vmul.f32 v8, v5;
	_ =	sdelay $0x1  }
0x17e: {  	v9 =	vmul.f32 v8, v60;
	_ =	sdelay $0x1  }
0x17f: {  	v9 =	vsub.f32 $1.500000000e+00, v9;
	_ =	sdelay $0x1  }
0x180: {  	v8 =	vmul.f32 v8, v9;
	_ =	sdelay $0x1  }
0x181: {  	v5 =	vmul.f32 v8, v5;
	_ =	sdelay $0x1  }
0x182: {  	v5 =	vmul.f32 v5, v8  }
0x183: {  	v3 =	vld.idx.msk [tilespmem:v3+s2+$0x0], $0xffff  }
0x184: {  	v5 =	vsub.f32 $1.500000000e+00, v5;
	_ =	sdelay $0x1  }
0x185: {  	s25 =	simm.s32 $0x0;
	v5 =	vmul.f32 v5, v8  }
0x186: {  	v61 =	vmov s25  }
0x187: {  	v8 =	vshll.u32 v61, $0x3;
	v62 =	vmul.f32 v5, v3  }
0x188: {  	v8 =	vor.u32 v2, v8  }
0x189: {  	v63 =	vmul.f32 v62, v4;
	v4 =	vor.u32 $0x1, v8  }
0x18a: {  	s1 =	simm.s32 $0x630;
	v5 =	vor.u32 $0x2, v8  }
0x18b: {  	v3 =	vor.u32 s1, v0  }
0x18c: {  	v6 =	vmul.f32 v62, v6  }
0x18d: {  	s0 =	simm.s32 $0x20;
	s25 =	simm.s32 $0x10;
	v7 =	vmul.f32 v62, v7;
	[tilespmem:v8+s29+$0x0] =	vst.idx.msk $0xffff, v63  }
.LBB2_10:
0x18e: {  	p3 =	sne.s32 s0, $0x610;
	[tilespmem:v4+s29+$0x0] =	vst.idx.msk $0xffff, v6  }
0x18f: {  	[tilespmem:v5+s29+$0x0] =	vst.idx.msk $0xffff, v7  }
0x190: {  	v6 =	vld.idx.msk [tilespmem:v3+s21+$0x0], $0xffff  }
0x191: {  	v7 =	vld.idx.msk [tilespmem:v3+s22+$0x0], $0xffff  }
0x192: {  	v8 =	vld.idx.msk [tilespmem:v3+s23+$0x0], $0xffff  }
0x193: {  	v3 =	vld.idx.msk [tilespmem:v3+s2+$0x0], $0xffff;
	_ =	sdelay $0x3  }
0x194: {  	v4 =	vmul.f32 v6, v6;
	v5 =	vmul.f32 v7, v7;
	_ =	sdelay $0x1  }
0x195: {  	v4 =	vadd.f32 v5, v4;
	v5 =	vmul.f32 v8, v8;
	_ =	sdelay $0x1  }
0x196: {  	v4 =	vadd.f32 v5, v4;
	_ =	sdelay $0x1  }
0x197: {  	v5 =	vshra.s32 v4, $0x1;
	v4 =	vmul.f32 $5.000000000e-01, v4  }
0x198: {  	v5 =	vsub.s32 $0x5F3759DF, v5  }
0x199: {  	v9 =	vmul.f32 v5, v4;
	_ =	sdelay $0x1  }
0x19a: {  	v9 =	vmul.f32 v5, v9;
	_ =	sdelay $0x1  }
0x19b: {  	v9 =	vsub.f32 $1.500000000e+00, v9;
	_ =	sdelay $0x1  }
0x19c: {  	v5 =	vmul.f32 v5, v9;
	_ =	sdelay $0x1  }
0x19d: {  	v4 =	vmul.f32 v5, v4;
	_ =	sdelay $0x1  }
0x19e: {  	v4 =	vmul.f32 v4, v5;
	_ =	sdelay $0x1  }
0x19f: {  	v4 =	vsub.f32 $1.500000000e+00, v4  }
0x1a0: {  	v9 =	vmov s25;
	s25 =	smov.u32 s0  }
0x1a1: {  	v4 =	vmul.f32 v4, v5;
	v5 =	vshll.u32 v9, $0x3  }
0x1a2: {  	v9 =	vor.u32 v2, v5  }
.Ltmp7:
0x1a3: {  	v10 =	vmul.f32 v4, v3;
	v4 =	vor.u32 $0x1, v9;
	(pc) =	sbr.rel @p3 .LBB2_10-.Ltmp7, $4  }
0x1a4: {  	s1 =	sadd.s32 $0x620, s0;
	v5 =	vor.u32 $0x2, v9  }
0x1a5: {  	v3 =	vor.u32 s1, v0;
	v11 =	vmul.f32 v10, v6  }
0x1a6: {  	v6 =	vmul.f32 v10, v7  }
0x1a7: {  	s0 =	sadd.s32 $0x10, s0;
	v7 =	vmul.f32 v10, v8;
	[tilespmem:v9+s29+$0x0] =	vst.idx.msk $0xffff, v11  }
.Ltmp8:
0x1a8: {  	_ = 	snop;
	(pc) =	sbr.rel .LBB2_11-.Ltmp8, $1  }
0x1a9: {  	_ =	sdelay $0x3  }
.LBB2_13:
0x1aa: {  	_ =	sfence.sel $0x180000  }
0x1ab: {  	[bflag:$0x0] =	sbarrier.arrive $0xFFFF  }
0x1ac: {  	_ =	strace $0x90000047  }
0x1ad: {  	[bflag:$0x2] =	sbarrier.arrive $0xFFFF  }
0x1ae: {  	s0 =	rddreg [dreg:$0x3]  }
0x1af: {  	s0 =	sadd.s32 @!p0 $0x100000, s0  }
0x1b0: {  	[sflag:s0] =	ssyncadd.tile.s32 @!p0 $0x1;
	_ =	shalt  }
.Lfunc_end2:
_tile_overlayer_lowered:
.L_overlay_start_2:
0x1b1: {  	(tag) =	ssettag $0x2  }
0x1b2: {  	s0 =	rddreg [dreg:$0x0];
	s2 =	stileid.u32  }
0x1b3: {  	s1 =	rddreg [dreg:$0x1];
	p0 =	sne.s32 s2, $0x0  }
0x1b4: {  	s3 =	rddreg [dreg:$0x2];
	[bflag:$0x3] =	sbarrier.arrive $0xFFFF;
	s2 =	simm.s32 @!p0 $0x1C04  }
0x1b5: {  	[timem:s3], [sflag:s2] =	dma.local @!p0 [hbm:s0], s1  }
0x1b6: {  	s0 =	simm.s32 @!p0 $0x4  }
0x1b7: {  	_ =	swait.ge @!p0 [sflag:s0], s1  }
0x1b8: {  	s1 =	ssub.s32 @!p0 $0x0, s1;
	[sflag:s0] =	ssyncset.done @!p0 $0x0  }
0x1b9: {  	[sflag:s0] =	ssyncadd.s32 @!p0 s1  }
0x1ba: {  	[bflag:$0x3] =	sbarrier.arrive $0xFFFF  }
0x1bb: {  	_ =	shalt  }

</sc_bundles>
